<compile_context>
chip_gen: v7x
topology: tpu7x:2x2x1
jax: 0.10.2.dev20260603
libtpu: 0.0.44.dev20260713+nightly
codegen_flags: <defaults>
</compile_context>

<pallas_src>
import functools
import jax
import jax.numpy as jnp
from jax import lax
from jax.experimental import pallas as pl
from jax.experimental.pallas import tpu as pltpu
from jax.experimental.pallas import tpu_sc as plsc

N = 16384
C = 1000
K = int(N * 0.7)
Q = 8
BC = 2048
SUBC = BC // Q
STEPS = N // BC
_MINI32 = -2147483648
_MAXI32 = 2147483647

_info = plsc.get_sparse_core_info()
_NC, _NS, _L = _info.num_cores, _info.num_subcores, _info.num_lanes
_NW = _NC * _NS
_BPW = N // _NW
_G = _BPW // _L

_sc_mesh = plsc.VectorSubcoreMesh(core_axis_name="c", subcore_axis_name="s")


@functools.partial(
    pl.kernel,
    mesh=_sc_mesh,
    compiler_params=pltpu.CompilerParams(needs_layout_passes=False),
    out_type=jax.ShapeDtypeStruct((N,), jnp.float32),
    scratch_types=[
        pltpu.VMEM((_BPW,), jnp.int32),
        pltpu.VMEM((_BPW,), jnp.int32),
        pltpu.VMEM((_BPW, 128), jnp.float32),
        pltpu.VMEM((_BPW,), jnp.float32),
        pltpu.SemaphoreType.DMA,
    ],
)
def _sc_gather(table_hbm, r_hbm, l_hbm, out_hbm, r_v, l_v, rows_v, pick_v, sem):
    wid = lax.axis_index("s") * _NC + lax.axis_index("c")
    base = wid * _BPW
    pltpu.sync_copy(r_hbm.at[pl.ds(base, _BPW)], r_v)
    pltpu.sync_copy(l_hbm.at[pl.ds(base, _BPW)], l_v)
    pltpu.async_copy(table_hbm.at[r_v], rows_v, sem).wait()
    for g in range(_G):
        rowidx = lax.iota(jnp.int32, _L) + g * _L
        laneidx = l_v[pl.ds(g * _L, _L)]
        pick_v[pl.ds(g * _L, _L)] = plsc.load_gather(rows_v, [rowidx, laneidx])
    pltpu.sync_copy(pick_v, out_hbm.at[pl.ds(base, _BPW)])


def _lse_kernel(*refs):
    x_refs = refs[:Q]
    out_ref = refs[Q]
    i = pl.program_id(0)
    s_parts = []
    for q in range(Q):
        x = x_refs[q][...]
        e = jnp.exp(x).reshape(C // 8, 8, SUBC)
        s_parts.append(jnp.sum(e, axis=0))
    s8 = jnp.concatenate(s_parts, axis=1)
    s = jnp.sum(s8, axis=0, keepdims=True)
    out_ref[...] = jnp.log(s)[None]


def _select_kernel(lse_ref, pick_ref, out_ref):
    xs = lse_ref[...] - pick_ref[...]
    b = lax.bitcast_convert_type(xs, jnp.int32)
    w = jnp.where(b >= 0, b, b ^ _MAXI32)

    def body(j, t_u):
        bit = jnp.left_shift(jnp.int32(1), 31 - j)
        cand_u = t_u | bit
        cand_w = cand_u ^ _MINI32
        cnt = jnp.sum((w >= cand_w).astype(jnp.int32))
        return jnp.where(cnt >= K, cand_u, t_u)

    t_u = lax.fori_loop(0, 32, body, jnp.int32(0))
    thr_w = t_u ^ _MINI32
    gt = w > thr_w
    cnt_gt = jnp.sum(gt.astype(jnp.int32))
    sum_gt = jnp.sum(jnp.where(gt, xs, 0.0))
    thr_val = jnp.max(jnp.where(w == thr_w, xs, -jnp.inf))
    total = sum_gt + (K - cnt_gt).astype(jnp.float32) * thr_val
    out_ref[0, 0] = total / jnp.float32(K)


def kernel(class_out, label):
    xt = class_out.T
    f = label * N + lax.iota(jnp.int32, N)
    r = f >> 7
    l = f & 127
    table = xt.reshape(N * C // 128, 128)

    picked = _sc_gather(table, r, l)

    in_specs = [
        pl.BlockSpec((C, SUBC), lambda i, q=q: (0, i * Q + q)) for q in range(Q)
    ]
    lse = pl.pallas_call(
        _lse_kernel,
        grid=(STEPS,),
        in_specs=in_specs,
        out_specs=pl.BlockSpec((1, 1, BC), lambda i: (i, 0, 0)),
        out_shape=jax.ShapeDtypeStruct((STEPS, 1, BC), jnp.float32),
    )(*([xt] * Q))
    lse = lse.reshape(STEPS, BC)

    out = pl.pallas_call(
        _select_kernel,
        out_specs=pl.BlockSpec(memory_space=pltpu.SMEM),
        out_shape=jax.ShapeDtypeStruct((1, 1), jnp.float32),
    )(lse, picked.reshape(STEPS, BC))
    return out[0, 0]

# --- scband reference (transcript-rebuilt; emitter-appended) ---
"""Pipeline reference for scband-class-loss-42571715838284 (READ-ONLY COPY).

The authoritative reference and input builder live on the scoring server;
editing this copy changes nothing except your own understanding.
"""

import jax, jax.numpy as jnp
import numpy as np

N = 16384
C = 1000

def setup_inputs(seed: int = 0) -> dict:
    key = jax.random.key(seed)
    k1, k2 = jax.random.split(key)
    class_out = jax.random.normal(k1, (N, C), dtype=jnp.float32)
    label = jax.random.randint(k2, (N,), 0, C, dtype=jnp.int32)
    return {"class_out": class_out, "label": label}

def reference(class_out, label):
    # label = torch.where(label < 0, -100, label)
    label = jnp.where(label < 0, -100, label)
    valid_label = jnp.where(label >= 0, 1, 0)
    num_valid = valid_label.shape[0]
    keep_num = int(num_valid * 0.7)
    label = jnp.squeeze(label)
    # CrossEntropyLoss(ignore_index=-100, reduction='none')
    logp = jax.nn.log_softmax(class_out, axis=-1)
    safe_label = jnp.where(label == -100, 0, label)
    loss = -jnp.take_along_axis(logp, safe_label[:, None], axis=1)[:, 0]
    loss = jnp.where(label == -100, 0.0, loss)
    loss = jnp.squeeze(loss)
    top_loss, _ = jax.lax.top_k(loss, keep_num)
    return jnp.mean(top_loss)

if __name__ == "__main__":
    import jax
    _d = setup_inputs()
    print(jax.jit(kernel)(*tuple(_d.values())))

</pallas_src>

<mosaic_0001>
#map = affine_map<(d0, d1) -> (0, 0)>
#map1 = affine_map<(d0, d1) -> (0)>
module attributes {stable_mosaic.version = 14 : i64} {
  func.func @_sc_gather(%arg0: i32, %arg1: i32, %arg2: memref<128000x128xf32, #tpu.memory_space<hbm>>, %arg3: memref<16384xi32, #tpu.memory_space<hbm>>, %arg4: memref<16384xi32, #tpu.memory_space<hbm>>, %arg5: memref<16384xf32, #tpu.memory_space<hbm>>, %arg6: memref<512xi32, #tpu.memory_space<vmem>>, %arg7: memref<512xi32, #tpu.memory_space<vmem>>, %arg8: memref<512x128xf32, #tpu.memory_space<vmem>>, %arg9: memref<512xf32, #tpu.memory_space<vmem>>, %arg10: memref<!tpu.dma_semaphore, #tpu.memory_space<semaphore_mem>>) attributes {dimension_semantics = [#tpu.dimension_semantics<core_parallel>, #tpu.dimension_semantics<subcore_parallel>], iteration_bounds = array<i64: 2, 16>, scalar_prefetch = 0 : i64, scratch_operands = 5 : i64, tpu.core_type = #tpu.core_type<sc_vector_subcore>, window_params = [{transform_indices = #map}, {transform_indices = #map1}, {transform_indices = #map1}, {transform_indices = #map1}]} {
    %mul3A = arith.constant 2 : i32
    %mul3A_0 = arith.muli %arg1, %mul3A : i32
    %add3A = arith.addi %mul3A_0, %arg0 : i32
    %mul3A_1 = arith.constant 512 : i32
    %mul3A_2 = arith.muli %add3A, %mul3A_1 : i32
    "tpu.region"() ({
      %run_scoped3A = tpu.sem_alloc : memref<!tpu.dma_semaphore, #tpu.memory_space<semaphore_mem>>
      %dma_start3A_291 = tpu.memref_slice %arg3[%mul3A_2] : memref<16384xi32, #tpu.memory_space<hbm>> -> memref<512xi32, #tpu.memory_space<hbm>>
      %dma_start3A_292 = tpu.memref_slice %arg3[%mul3A_2] : memref<16384xi32, #tpu.memory_space<hbm>> -> memref<512xi32, #tpu.memory_space<hbm>>
      tpu.enqueue_dma source(%dma_start3A_292 : memref<512xi32, #tpu.memory_space<hbm>>) target(%arg6 : memref<512xi32, #tpu.memory_space<vmem>>) target_semaphore(%run_scoped3A : memref<!tpu.dma_semaphore, #tpu.memory_space<semaphore_mem>>)
      %dma_wait3A_293 = tpu.memref_slice %arg3[%mul3A_2] : memref<16384xi32, #tpu.memory_space<hbm>> -> memref<512xi32, #tpu.memory_space<hbm>>
      %dma_wait3A_294 = tpu.memref_slice %arg3[%mul3A_2] : memref<16384xi32, #tpu.memory_space<hbm>> -> memref<512xi32, #tpu.memory_space<hbm>>
      tpu.wait_dma2 semaphore(%run_scoped3A : memref<!tpu.dma_semaphore, #tpu.memory_space<semaphore_mem>>) src(%dma_wait3A_294 : memref<512xi32, #tpu.memory_space<hbm>>) dst(%arg6 : memref<512xi32, #tpu.memory_space<vmem>>)
      tpu.yield
    }) : () -> ()
    "tpu.region"() ({
      %run_scoped3A = tpu.sem_alloc : memref<!tpu.dma_semaphore, #tpu.memory_space<semaphore_mem>>
      %dma_start3A_291 = tpu.memref_slice %arg4[%mul3A_2] : memref<16384xi32, #tpu.memory_space<hbm>> -> memref<512xi32, #tpu.memory_space<hbm>>
      %dma_start3A_292 = tpu.memref_slice %arg4[%mul3A_2] : memref<16384xi32, #tpu.memory_space<hbm>> -> memref<512xi32, #tpu.memory_space<hbm>>
      tpu.enqueue_dma source(%dma_start3A_292 : memref<512xi32, #tpu.memory_space<hbm>>) target(%arg7 : memref<512xi32, #tpu.memory_space<vmem>>) target_semaphore(%run_scoped3A : memref<!tpu.dma_semaphore, #tpu.memory_space<semaphore_mem>>)
      %dma_wait3A_293 = tpu.memref_slice %arg4[%mul3A_2] : memref<16384xi32, #tpu.memory_space<hbm>> -> memref<512xi32, #tpu.memory_space<hbm>>
      %dma_wait3A_294 = tpu.memref_slice %arg4[%mul3A_2] : memref<16384xi32, #tpu.memory_space<hbm>> -> memref<512xi32, #tpu.memory_space<hbm>>
      tpu.wait_dma2 semaphore(%run_scoped3A : memref<!tpu.dma_semaphore, #tpu.memory_space<semaphore_mem>>) src(%dma_wait3A_294 : memref<512xi32, #tpu.memory_space<hbm>>) dst(%arg7 : memref<512xi32, #tpu.memory_space<vmem>>)
      tpu.yield
    }) : () -> ()
    %dma_start3A = arith.constant 0 : i32
    %dma_start3A_3 = arith.constant 0 : i32
    %dma_start3A_4 = tpu.memref_slice %arg2[%dma_start3A, %dma_start3A_3] : memref<128000x128xf32, #tpu.memory_space<hbm>> -> memref<128000x128xf32, #tpu.memory_space<hbm>>
    tpu.enqueue_indirect_dma source(%dma_start3A_4 : memref<128000x128xf32, #tpu.memory_space<hbm>>) target(%arg8 : memref<512x128xf32, #tpu.memory_space<vmem>>) offsets(%arg6 : memref<512xi32, #tpu.memory_space<vmem>>) semaphore(%arg10 : memref<!tpu.dma_semaphore, #tpu.memory_space<semaphore_mem>>)
    %dma_wait3A = arith.constant 0 : i32
    %dma_wait3A_5 = arith.constant 0 : i32
    %dma_wait3A_6 = tpu.memref_slice %arg2[%dma_wait3A, %dma_wait3A_5] : memref<128000x128xf32, #tpu.memory_space<hbm>> -> memref<128000x128xf32, #tpu.memory_space<hbm>>
    tpu.wait_indirect_dma semaphore(%arg10 : memref<!tpu.dma_semaphore, #tpu.memory_space<semaphore_mem>>) src(%dma_wait3A_6 : memref<128000x128xf32, #tpu.memory_space<hbm>>) dst(%arg8 : memref<512x128xf32, #tpu.memory_space<vmem>>)
    %iota3A = tpu.iota {dimensions = array<i32: 0>} : vector<16xi32>
    %add3A_7 = arith.constant 0 : i32
    %add3A_8 = vector.broadcast %add3A_7 : i32 to vector<16xi32>
    %add3A_9 = arith.addi %iota3A, %add3A_8 : vector<16xi32>
    %get3A = arith.constant 0 : index
    %get3A_10 = tpu.vector_load %arg7[%get3A] {strides = array<i32>} : memref<512xi32, #tpu.memory_space<vmem>>, vector<16xi32>,
    %gather3A = tpu.vector_load_idx %arg8[%add3A_9, %get3A_10] : memref<512x128xf32, #tpu.memory_space<vmem>>[vector<16xi32>, vector<16xi32>], vector<16xf32>,
    %swap3A = arith.constant 0 : index
    %swap3A_11 = tpu.vector_load %arg9[%swap3A] {strides = array<i32>} : memref<512xf32, #tpu.memory_space<vmem>>, vector<16xf32>,
    tpu.vector_store %arg9[%swap3A], %gather3A {strides = array<i32>} : memref<512xf32, #tpu.memory_space<vmem>>, vector<16xf32>,
    %iota3A_12 = tpu.iota {dimensions = array<i32: 0>} : vector<16xi32>
    %add3A_13 = arith.constant 16 : i32
    %add3A_14 = vector.broadcast %add3A_13 : i32 to vector<16xi32>
    %add3A_15 = arith.addi %iota3A_12, %add3A_14 : vector<16xi32>
    %get3A_16 = arith.constant 16 : index
    %get3A_17 = tpu.vector_load %arg7[%get3A_16] {strides = array<i32>} : memref<512xi32, #tpu.memory_space<vmem>>, vector<16xi32>,
    %gather3A_18 = tpu.vector_load_idx %arg8[%add3A_15, %get3A_17] : memref<512x128xf32, #tpu.memory_space<vmem>>[vector<16xi32>, vector<16xi32>], vector<16xf32>,
    %swap3A_19 = arith.constant 16 : index
    %swap3A_20 = tpu.vector_load %arg9[%swap3A_19] {strides = array<i32>} : memref<512xf32, #tpu.memory_space<vmem>>, vector<16xf32>,
    tpu.vector_store %arg9[%swap3A_19], %gather3A_18 {strides = array<i32>} : memref<512xf32, #tpu.memory_space<vmem>>, vector<16xf32>,
    %iota3A_21 = tpu.iota {dimensions = array<i32: 0>} : vector<16xi32>
    %add3A_22 = arith.constant 32 : i32
    %add3A_23 = vector.broadcast %add3A_22 : i32 to vector<16xi32>
    %add3A_24 = arith.addi %iota3A_21, %add3A_23 : vector<16xi32>
    %get3A_25 = arith.constant 32 : index
    %get3A_26 = tpu.vector_load %arg7[%get3A_25] {strides = array<i32>} : memref<512xi32, #tpu.memory_space<vmem>>, vector<16xi32>,
    %gather3A_27 = tpu.vector_load_idx %arg8[%add3A_24, %get3A_26] : memref<512x128xf32, #tpu.memory_space<vmem>>[vector<16xi32>, vector<16xi32>], vector<16xf32>,
    %swap3A_28 = arith.constant 32 : index
    %swap3A_29 = tpu.vector_load %arg9[%swap3A_28] {strides = array<i32>} : memref<512xf32, #tpu.memory_space<vmem>>, vector<16xf32>,
    tpu.vector_store %arg9[%swap3A_28], %gather3A_27 {strides = array<i32>} : memref<512xf32, #tpu.memory_space<vmem>>, vector<16xf32>,
    %iota3A_30 = tpu.iota {dimensions = array<i32: 0>} : vector<16xi32>
    %add3A_31 = arith.constant 48 : i32
    %add3A_32 = vector.broadcast %add3A_31 : i32 to vector<16xi32>
    %add3A_33 = arith.addi %iota3A_30, %add3A_32 : vector<16xi32>
    %get3A_34 = arith.constant 48 : index
    %get3A_35 = tpu.vector_load %arg7[%get3A_34] {strides = array<i32>} : memref<512xi32, #tpu.memory_space<vmem>>, vector<16xi32>,
    %gather3A_36 = tpu.vector_load_idx %arg8[%add3A_33, %get3A_35] : memref<512x128xf32, #tpu.memory_space<vmem>>[vector<16xi32>, vector<16xi32>], vector<16xf32>,
    %swap3A_37 = arith.constant 48 : index
    %swap3A_38 = tpu.vector_load %arg9[%swap3A_37] {strides = array<i32>} : memref<512xf32, #tpu.memory_space<vmem>>, vector<16xf32>,
    tpu.vector_store %arg9[%swap3A_37], %gather3A_36 {strides = array<i32>} : memref<512xf32, #tpu.memory_space<vmem>>, vector<16xf32>,
    %iota3A_39 = tpu.iota {dimensions = array<i32: 0>} : vector<16xi32>
    %add3A_40 = arith.constant 64 : i32
    %add3A_41 = vector.broadcast %add3A_40 : i32 to vector<16xi32>
    %add3A_42 = arith.addi %iota3A_39, %add3A_41 : vector<16xi32>
    %get3A_43 = arith.constant 64 : index
    %get3A_44 = tpu.vector_load %arg7[%get3A_43] {strides = array<i32>} : memref<512xi32, #tpu.memory_space<vmem>>, vector<16xi32>,
    %gather3A_45 = tpu.vector_load_idx %arg8[%add3A_42, %get3A_44] : memref<512x128xf32, #tpu.memory_space<vmem>>[vector<16xi32>, vector<16xi32>], vector<16xf32>,
    %swap3A_46 = arith.constant 64 : index
    %swap3A_47 = tpu.vector_load %arg9[%swap3A_46] {strides = array<i32>} : memref<512xf32, #tpu.memory_space<vmem>>, vector<16xf32>,
    tpu.vector_store %arg9[%swap3A_46], %gather3A_45 {strides = array<i32>} : memref<512xf32, #tpu.memory_space<vmem>>, vector<16xf32>,
    %iota3A_48 = tpu.iota {dimensions = array<i32: 0>} : vector<16xi32>
    %add3A_49 = arith.constant 80 : i32
    %add3A_50 = vector.broadcast %add3A_49 : i32 to vector<16xi32>
    %add3A_51 = arith.addi %iota3A_48, %add3A_50 : vector<16xi32>
    %get3A_52 = arith.constant 80 : index
    %get3A_53 = tpu.vector_load %arg7[%get3A_52] {strides = array<i32>} : memref<512xi32, #tpu.memory_space<vmem>>, vector<16xi32>,
    %gather3A_54 = tpu.vector_load_idx %arg8[%add3A_51, %get3A_53] : memref<512x128xf32, #tpu.memory_space<vmem>>[vector<16xi32>, vector<16xi32>], vector<16xf32>,
    %swap3A_55 = arith.constant 80 : index
    %swap3A_56 = tpu.vector_load %arg9[%swap3A_55] {strides = array<i32>} : memref<512xf32, #tpu.memory_space<vmem>>, vector<16xf32>,
    tpu.vector_store %arg9[%swap3A_55], %gather3A_54 {strides = array<i32>} : memref<512xf32, #tpu.memory_space<vmem>>, vector<16xf32>,
    %iota3A_57 = tpu.iota {dimensions = array<i32: 0>} : vector<16xi32>
    %add3A_58 = arith.constant 96 : i32
    %add3A_59 = vector.broadcast %add3A_58 : i32 to vector<16xi32>
    %add3A_60 = arith.addi %iota3A_57, %add3A_59 : vector<16xi32>
    %get3A_61 = arith.constant 96 : index
    %get3A_62 = tpu.vector_load %arg7[%get3A_61] {strides = array<i32>} : memref<512xi32, #tpu.memory_space<vmem>>, vector<16xi32>,
    %gather3A_63 = tpu.vector_load_idx %arg8[%add3A_60, %get3A_62] : memref<512x128xf32, #tpu.memory_space<vmem>>[vector<16xi32>, vector<16xi32>], vector<16xf32>,
    %swap3A_64 = arith.constant 96 : index
    %swap3A_65 = tpu.vector_load %arg9[%swap3A_64] {strides = array<i32>} : memref<512xf32, #tpu.memory_space<vmem>>, vector<16xf32>,
    tpu.vector_store %arg9[%swap3A_64], %gather3A_63 {strides = array<i32>} : memref<512xf32, #tpu.memory_space<vmem>>, vector<16xf32>,
    %iota3A_66 = tpu.iota {dimensions = array<i32: 0>} : vector<16xi32>
    %add3A_67 = arith.constant 112 : i32
    %add3A_68 = vector.broadcast %add3A_67 : i32 to vector<16xi32>
    %add3A_69 = arith.addi %iota3A_66, %add3A_68 : vector<16xi32>
    %get3A_70 = arith.constant 112 : index
    %get3A_71 = tpu.vector_load %arg7[%get3A_70] {strides = array<i32>} : memref<512xi32, #tpu.memory_space<vmem>>, vector<16xi32>,
    %gather3A_72 = tpu.vector_load_idx %arg8[%add3A_69, %get3A_71] : memref<512x128xf32, #tpu.memory_space<vmem>>[vector<16xi32>, vector<16xi32>], vector<16xf32>,
    %swap3A_73 = arith.constant 112 : index
    %swap3A_74 = tpu.vector_load %arg9[%swap3A_73] {strides = array<i32>} : memref<512xf32, #tpu.memory_space<vmem>>, vector<16xf32>,
    tpu.vector_store %arg9[%swap3A_73], %gather3A_72 {strides = array<i32>} : memref<512xf32, #tpu.memory_space<vmem>>, vector<16xf32>,
    %iota3A_75 = tpu.iota {dimensions = array<i32: 0>} : vector<16xi32>
    %add3A_76 = arith.constant 128 : i32
    %add3A_77 = vector.broadcast %add3A_76 : i32 to vector<16xi32>
    %add3A_78 = arith.addi %iota3A_75, %add3A_77 : vector<16xi32>
    %get3A_79 = arith.constant 128 : index
    %get3A_80 = tpu.vector_load %arg7[%get3A_79] {strides = array<i32>} : memref<512xi32, #tpu.memory_space<vmem>>, vector<16xi32>,
    %gather3A_81 = tpu.vector_load_idx %arg8[%add3A_78, %get3A_80] : memref<512x128xf32, #tpu.memory_space<vmem>>[vector<16xi32>, vector<16xi32>], vector<16xf32>,
    %swap3A_82 = arith.constant 128 : index
    %swap3A_83 = tpu.vector_load %arg9[%swap3A_82] {strides = array<i32>} : memref<512xf32, #tpu.memory_space<vmem>>, vector<16xf32>,
    tpu.vector_store %arg9[%swap3A_82], %gather3A_81 {strides = array<i32>} : memref<512xf32, #tpu.memory_space<vmem>>, vector<16xf32>,
    %iota3A_84 = tpu.iota {dimensions = array<i32: 0>} : vector<16xi32>
    %add3A_85 = arith.constant 144 : i32
    %add3A_86 = vector.broadcast %add3A_85 : i32 to vector<16xi32>
    %add3A_87 = arith.addi %iota3A_84, %add3A_86 : vector<16xi32>
    %get3A_88 = arith.constant 144 : index
    %get3A_89 = tpu.vector_load %arg7[%get3A_88] {strides = array<i32>} : memref<512xi32, #tpu.memory_space<vmem>>, vector<16xi32>,
    %gather3A_90 = tpu.vector_load_idx %arg8[%add3A_87, %get3A_89] : memref<512x128xf32, #tpu.memory_space<vmem>>[vector<16xi32>, vector<16xi32>], vector<16xf32>,
    %swap3A_91 = arith.constant 144 : index
    %swap3A_92 = tpu.vector_load %arg9[%swap3A_91] {strides = array<i32>} : memref<512xf32, #tpu.memory_space<vmem>>, vector<16xf32>,
    tpu.vector_store %arg9[%swap3A_91], %gather3A_90 {strides = array<i32>} : memref<512xf32, #tpu.memory_space<vmem>>, vector<16xf32>,
    %iota3A_93 = tpu.iota {dimensions = array<i32: 0>} : vector<16xi32>
    %add3A_94 = arith.constant 160 : i32
    %add3A_95 = vector.broadcast %add3A_94 : i32 to vector<16xi32>
    %add3A_96 = arith.addi %iota3A_93, %add3A_95 : vector<16xi32>
    %get3A_97 = arith.constant 160 : index
    %get3A_98 = tpu.vector_load %arg7[%get3A_97] {strides = array<i32>} : memref<512xi32, #tpu.memory_space<vmem>>, vector<16xi32>,
    %gather3A_99 = tpu.vector_load_idx %arg8[%add3A_96, %get3A_98] : memref<512x128xf32, #tpu.memory_space<vmem>>[vector<16xi32>, vector<16xi32>], vector<16xf32>,
    %swap3A_100 = arith.constant 160 : index
    %swap3A_101 = tpu.vector_load %arg9[%swap3A_100] {strides = array<i32>} : memref<512xf32, #tpu.memory_space<vmem>>, vector<16xf32>,
    tpu.vector_store %arg9[%swap3A_100], %gather3A_99 {strides = array<i32>} : memref<512xf32, #tpu.memory_space<vmem>>, vector<16xf32>,
    %iota3A_102 = tpu.iota {dimensions = array<i32: 0>} : vector<16xi32>
    %add3A_103 = arith.constant 176 : i32
    %add3A_104 = vector.broadcast %add3A_103 : i32 to vector<16xi32>
    %add3A_105 = arith.addi %iota3A_102, %add3A_104 : vector<16xi32>
    %get3A_106 = arith.constant 176 : index
    %get3A_107 = tpu.vector_load %arg7[%get3A_106] {strides = array<i32>} : memref<512xi32, #tpu.memory_space<vmem>>, vector<16xi32>,
    %gather3A_108 = tpu.vector_load_idx %arg8[%add3A_105, %get3A_107] : memref<512x128xf32, #tpu.memory_space<vmem>>[vector<16xi32>, vector<16xi32>], vector<16xf32>,
    %swap3A_109 = arith.constant 176 : index
    %swap3A_110 = tpu.vector_load %arg9[%swap3A_109] {strides = array<i32>} : memref<512xf32, #tpu.memory_space<vmem>>, vector<16xf32>,
    tpu.vector_store %arg9[%swap3A_109], %gather3A_108 {strides = array<i32>} : memref<512xf32, #tpu.memory_space<vmem>>, vector<16xf32>,
    %iota3A_111 = tpu.iota {dimensions = array<i32: 0>} : vector<16xi32>
    %add3A_112 = arith.constant 192 : i32
    %add3A_113 = vector.broadcast %add3A_112 : i32 to vector<16xi32>
    %add3A_114 = arith.addi %iota3A_111, %add3A_113 : vector<16xi32>
    %get3A_115 = arith.constant 192 : index
    %get3A_116 = tpu.vector_load %arg7[%get3A_115] {strides = array<i32>} : memref<512xi32, #tpu.memory_space<vmem>>, vector<16xi32>,
    %gather3A_117 = tpu.vector_load_idx %arg8[%add3A_114, %get3A_116] : memref<512x128xf32, #tpu.memory_space<vmem>>[vector<16xi32>, vector<16xi32>], vector<16xf32>,
    %swap3A_118 = arith.constant 192 : index
    %swap3A_119 = tpu.vector_load %arg9[%swap3A_118] {strides = array<i32>} : memref<512xf32, #tpu.memory_space<vmem>>, vector<16xf32>,
    tpu.vector_store %arg9[%swap3A_118], %gather3A_117 {strides = array<i32>} : memref<512xf32, #tpu.memory_space<vmem>>, vector<16xf32>,
    %iota3A_120 = tpu.iota {dimensions = array<i32: 0>} : vector<16xi32>
    %add3A_121 = arith.constant 208 : i32
    %add3A_122 = vector.broadcast %add3A_121 : i32 to vector<16xi32>
    %add3A_123 = arith.addi %iota3A_120, %add3A_122 : vector<16xi32>
    %get3A_124 = arith.constant 208 : index
    %get3A_125 = tpu.vector_load %arg7[%get3A_124] {strides = array<i32>} : memref<512xi32, #tpu.memory_space<vmem>>, vector<16xi32>,
    %gather3A_126 = tpu.vector_load_idx %arg8[%add3A_123, %get3A_125] : memref<512x128xf32, #tpu.memory_space<vmem>>[vector<16xi32>, vector<16xi32>], vector<16xf32>,
    %swap3A_127 = arith.constant 208 : index
    %swap3A_128 = tpu.vector_load %arg9[%swap3A_127] {strides = array<i32>} : memref<512xf32, #tpu.memory_space<vmem>>, vector<16xf32>,
    tpu.vector_store %arg9[%swap3A_127], %gather3A_126 {strides = array<i32>} : memref<512xf32, #tpu.memory_space<vmem>>, vector<16xf32>,
    %iota3A_129 = tpu.iota {dimensions = array<i32: 0>} : vector<16xi32>
    %add3A_130 = arith.constant 224 : i32
    %add3A_131 = vector.broadcast %add3A_130 : i32 to vector<16xi32>
    %add3A_132 = arith.addi %iota3A_129, %add3A_131 : vector<16xi32>
    %get3A_133 = arith.constant 224 : index
    %get3A_134 = tpu.vector_load %arg7[%get3A_133] {strides = array<i32>} : memref<512xi32, #tpu.memory_space<vmem>>, vector<16xi32>,
    %gather3A_135 = tpu.vector_load_idx %arg8[%add3A_132, %get3A_134] : memref<512x128xf32, #tpu.memory_space<vmem>>[vector<16xi32>, vector<16xi32>], vector<16xf32>,
    %swap3A_136 = arith.constant 224 : index
    %swap3A_137 = tpu.vector_load %arg9[%swap3A_136] {strides = array<i32>} : memref<512xf32, #tpu.memory_space<vmem>>, vector<16xf32>,
    tpu.vector_store %arg9[%swap3A_136], %gather3A_135 {strides = array<i32>} : memref<512xf32, #tpu.memory_space<vmem>>, vector<16xf32>,
    %iota3A_138 = tpu.iota {dimensions = array<i32: 0>} : vector<16xi32>
    %add3A_139 = arith.constant 240 : i32
    %add3A_140 = vector.broadcast %add3A_139 : i32 to vector<16xi32>
    %add3A_141 = arith.addi %iota3A_138, %add3A_140 : vector<16xi32>
    %get3A_142 = arith.constant 240 : index
    %get3A_143 = tpu.vector_load %arg7[%get3A_142] {strides = array<i32>} : memref<512xi32, #tpu.memory_space<vmem>>, vector<16xi32>,
    %gather3A_144 = tpu.vector_load_idx %arg8[%add3A_141, %get3A_143] : memref<512x128xf32, #tpu.memory_space<vmem>>[vector<16xi32>, vector<16xi32>], vector<16xf32>,
    %swap3A_145 = arith.constant 240 : index
    %swap3A_146 = tpu.vector_load %arg9[%swap3A_145] {strides = array<i32>} : memref<512xf32, #tpu.memory_space<vmem>>, vector<16xf32>,
    tpu.vector_store %arg9[%swap3A_145], %gather3A_144 {strides = array<i32>} : memref<512xf32, #tpu.memory_space<vmem>>, vector<16xf32>,
    %iota3A_147 = tpu.iota {dimensions = array<i32: 0>} : vector<16xi32>
    %add3A_148 = arith.constant 256 : i32
    %add3A_149 = vector.broadcast %add3A_148 : i32 to vector<16xi32>
    %add3A_150 = arith.addi %iota3A_147, %add3A_149 : vector<16xi32>
    %get3A_151 = arith.constant 256 : index
    %get3A_152 = tpu.vector_load %arg7[%get3A_151] {strides = array<i32>} : memref<512xi32, #tpu.memory_space<vmem>>, vector<16xi32>,
    %gather3A_153 = tpu.vector_load_idx %arg8[%add3A_150, %get3A_152] : memref<512x128xf32, #tpu.memory_space<vmem>>[vector<16xi32>, vector<16xi32>], vector<16xf32>,
    %swap3A_154 = arith.constant 256 : index
    %swap3A_155 = tpu.vector_load %arg9[%swap3A_154] {strides = array<i32>} : memref<512xf32, #tpu.memory_space<vmem>>, vector<16xf32>,
    tpu.vector_store %arg9[%swap3A_154], %gather3A_153 {strides = array<i32>} : memref<512xf32, #tpu.memory_space<vmem>>, vector<16xf32>,
    %iota3A_156 = tpu.iota {dimensions = array<i32: 0>} : vector<16xi32>
    %add3A_157 = arith.constant 272 : i32
    %add3A_158 = vector.broadcast %add3A_157 : i32 to vector<16xi32>
    %add3A_159 = arith.addi %iota3A_156, %add3A_158 : vector<16xi32>
    %get3A_160 = arith.constant 272 : index
    %get3A_161 = tpu.vector_load %arg7[%get3A_160] {strides = array<i32>} : memref<512xi32, #tpu.memory_space<vmem>>, vector<16xi32>,
    %gather3A_162 = tpu.vector_load_idx %arg8[%add3A_159, %get3A_161] : memref<512x128xf32, #tpu.memory_space<vmem>>[vector<16xi32>, vector<16xi32>], vector<16xf32>,
    %swap3A_163 = arith.constant 272 : index
    %swap3A_164 = tpu.vector_load %arg9[%swap3A_163] {strides = array<i32>} : memref<512xf32, #tpu.memory_space<vmem>>, vector<16xf32>,
    tpu.vector_store %arg9[%swap3A_163], %gather3A_162 {strides = array<i32>} : memref<512xf32, #tpu.memory_space<vmem>>, vector<16xf32>,
    %iota3A_165 = tpu.iota {dimensions = array<i32: 0>} : vector<16xi32>
    %add3A_166 = arith.constant 288 : i32
    %add3A_167 = vector.broadcast %add3A_166 : i32 to vector<16xi32>
    %add3A_168 = arith.addi %iota3A_165, %add3A_167 : vector<16xi32>
    %get3A_169 = arith.constant 288 : index
    %get3A_170 = tpu.vector_load %arg7[%get3A_169] {strides = array<i32>} : memref<512xi32, #tpu.memory_space<vmem>>, vector<16xi32>,
    %gather3A_171 = tpu.vector_load_idx %arg8[%add3A_168, %get3A_170] : memref<512x128xf32, #tpu.memory_space<vmem>>[vector<16xi32>, vector<16xi32>], vector<16xf32>,
    %swap3A_172 = arith.constant 288 : index
    %swap3A_173 = tpu.vector_load %arg9[%swap3A_172] {strides = array<i32>} : memref<512xf32, #tpu.memory_space<vmem>>, vector<16xf32>,
    tpu.vector_store %arg9[%swap3A_172], %gather3A_171 {strides = array<i32>} : memref<512xf32, #tpu.memory_space<vmem>>, vector<16xf32>,
    %iota3A_174 = tpu.iota {dimensions = array<i32: 0>} : vector<16xi32>
    %add3A_175 = arith.constant 304 : i32
    %add3A_176 = vector.broadcast %add3A_175 : i32 to vector<16xi32>
    %add3A_177 = arith.addi %iota3A_174, %add3A_176 : vector<16xi32>
    %get3A_178 = arith.constant 304 : index
    %get3A_179 = tpu.vector_load %arg7[%get3A_178] {strides = array<i32>} : memref<512xi32, #tpu.memory_space<vmem>>, vector<16xi32>,
    %gather3A_180 = tpu.vector_load_idx %arg8[%add3A_177, %get3A_179] : memref<512x128xf32, #tpu.memory_space<vmem>>[vector<16xi32>, vector<16xi32>], vector<16xf32>,
    %swap3A_181 = arith.constant 304 : index
    %swap3A_182 = tpu.vector_load %arg9[%swap3A_181] {strides = array<i32>} : memref<512xf32, #tpu.memory_space<vmem>>, vector<16xf32>,
    tpu.vector_store %arg9[%swap3A_181], %gather3A_180 {strides = array<i32>} : memref<512xf32, #tpu.memory_space<vmem>>, vector<16xf32>,
    %iota3A_183 = tpu.iota {dimensions = array<i32: 0>} : vector<16xi32>
    %add3A_184 = arith.constant 320 : i32
    %add3A_185 = vector.broadcast %add3A_184 : i32 to vector<16xi32>
    %add3A_186 = arith.addi %iota3A_183, %add3A_185 : vector<16xi32>
    %get3A_187 = arith.constant 320 : index
    %get3A_188 = tpu.vector_load %arg7[%get3A_187] {strides = array<i32>} : memref<512xi32, #tpu.memory_space<vmem>>, vector<16xi32>,
    %gather3A_189 = tpu.vector_load_idx %arg8[%add3A_186, %get3A_188] : memref<512x128xf32, #tpu.memory_space<vmem>>[vector<16xi32>, vector<16xi32>], vector<16xf32>,
    %swap3A_190 = arith.constant 320 : index
    %swap3A_191 = tpu.vector_load %arg9[%swap3A_190] {strides = array<i32>} : memref<512xf32, #tpu.memory_space<vmem>>, vector<16xf32>,
    tpu.vector_store %arg9[%swap3A_190], %gather3A_189 {strides = array<i32>} : memref<512xf32, #tpu.memory_space<vmem>>, vector<16xf32>,
    %iota3A_192 = tpu.iota {dimensions = array<i32: 0>} : vector<16xi32>
    %add3A_193 = arith.constant 336 : i32
    %add3A_194 = vector.broadcast %add3A_193 : i32 to vector<16xi32>
    %add3A_195 = arith.addi %iota3A_192, %add3A_194 : vector<16xi32>
    %get3A_196 = arith.constant 336 : index
    %get3A_197 = tpu.vector_load %arg7[%get3A_196] {strides = array<i32>} : memref<512xi32, #tpu.memory_space<vmem>>, vector<16xi32>,
    %gather3A_198 = tpu.vector_load_idx %arg8[%add3A_195, %get3A_197] : memref<512x128xf32, #tpu.memory_space<vmem>>[vector<16xi32>, vector<16xi32>], vector<16xf32>,
    %swap3A_199 = arith.constant 336 : index
    %swap3A_200 = tpu.vector_load %arg9[%swap3A_199] {strides = array<i32>} : memref<512xf32, #tpu.memory_space<vmem>>, vector<16xf32>,
    tpu.vector_store %arg9[%swap3A_199], %gather3A_198 {strides = array<i32>} : memref<512xf32, #tpu.memory_space<vmem>>, vector<16xf32>,
    %iota3A_201 = tpu.iota {dimensions = array<i32: 0>} : vector<16xi32>
    %add3A_202 = arith.constant 352 : i32
    %add3A_203 = vector.broadcast %add3A_202 : i32 to vector<16xi32>
    %add3A_204 = arith.addi %iota3A_201, %add3A_203 : vector<16xi32>
    %get3A_205 = arith.constant 352 : index
    %get3A_206 = tpu.vector_load %arg7[%get3A_205] {strides = array<i32>} : memref<512xi32, #tpu.memory_space<vmem>>, vector<16xi32>,
    %gather3A_207 = tpu.vector_load_idx %arg8[%add3A_204, %get3A_206] : memref<512x128xf32, #tpu.memory_space<vmem>>[vector<16xi32>, vector<16xi32>], vector<16xf32>,
    %swap3A_208 = arith.constant 352 : index
    %swap3A_209 = tpu.vector_load %arg9[%swap3A_208] {strides = array<i32>} : memref<512xf32, #tpu.memory_space<vmem>>, vector<16xf32>,
    tpu.vector_store %arg9[%swap3A_208], %gather3A_207 {strides = array<i32>} : memref<512xf32, #tpu.memory_space<vmem>>, vector<16xf32>,
    %iota3A_210 = tpu.iota {dimensions = array<i32: 0>} : vector<16xi32>
    %add3A_211 = arith.constant 368 : i32
    %add3A_212 = vector.broadcast %add3A_211 : i32 to vector<16xi32>
    %add3A_213 = arith.addi %iota3A_210, %add3A_212 : vector<16xi32>
    %get3A_214 = arith.constant 368 : index
    %get3A_215 = tpu.vector_load %arg7[%get3A_214] {strides = array<i32>} : memref<512xi32, #tpu.memory_space<vmem>>, vector<16xi32>,
    %gather3A_216 = tpu.vector_load_idx %arg8[%add3A_213, %get3A_215] : memref<512x128xf32, #tpu.memory_space<vmem>>[vector<16xi32>, vector<16xi32>], vector<16xf32>,
    %swap3A_217 = arith.constant 368 : index
    %swap3A_218 = tpu.vector_load %arg9[%swap3A_217] {strides = array<i32>} : memref<512xf32, #tpu.memory_space<vmem>>, vector<16xf32>,
    tpu.vector_store %arg9[%swap3A_217], %gather3A_216 {strides = array<i32>} : memref<512xf32, #tpu.memory_space<vmem>>, vector<16xf32>,
    %iota3A_219 = tpu.iota {dimensions = array<i32: 0>} : vector<16xi32>
    %add3A_220 = arith.constant 384 : i32
    %add3A_221 = vector.broadcast %add3A_220 : i32 to vector<16xi32>
    %add3A_222 = arith.addi %iota3A_219, %add3A_221 : vector<16xi32>
    %get3A_223 = arith.constant 384 : index
    %get3A_224 = tpu.vector_load %arg7[%get3A_223] {strides = array<i32>} : memref<512xi32, #tpu.memory_space<vmem>>, vector<16xi32>,
    %gather3A_225 = tpu.vector_load_idx %arg8[%add3A_222, %get3A_224] : memref<512x128xf32, #tpu.memory_space<vmem>>[vector<16xi32>, vector<16xi32>], vector<16xf32>,
    %swap3A_226 = arith.constant 384 : index
    %swap3A_227 = tpu.vector_load %arg9[%swap3A_226] {strides = array<i32>} : memref<512xf32, #tpu.memory_space<vmem>>, vector<16xf32>,
    tpu.vector_store %arg9[%swap3A_226], %gather3A_225 {strides = array<i32>} : memref<512xf32, #tpu.memory_space<vmem>>, vector<16xf32>,
    %iota3A_228 = tpu.iota {dimensions = array<i32: 0>} : vector<16xi32>
    %add3A_229 = arith.constant 400 : i32
    %add3A_230 = vector.broadcast %add3A_229 : i32 to vector<16xi32>
    %add3A_231 = arith.addi %iota3A_228, %add3A_230 : vector<16xi32>
    %get3A_232 = arith.constant 400 : index
    %get3A_233 = tpu.vector_load %arg7[%get3A_232] {strides = array<i32>} : memref<512xi32, #tpu.memory_space<vmem>>, vector<16xi32>,
    %gather3A_234 = tpu.vector_load_idx %arg8[%add3A_231, %get3A_233] : memref<512x128xf32, #tpu.memory_space<vmem>>[vector<16xi32>, vector<16xi32>], vector<16xf32>,
    %swap3A_235 = arith.constant 400 : index
    %swap3A_236 = tpu.vector_load %arg9[%swap3A_235] {strides = array<i32>} : memref<512xf32, #tpu.memory_space<vmem>>, vector<16xf32>,
    tpu.vector_store %arg9[%swap3A_235], %gather3A_234 {strides = array<i32>} : memref<512xf32, #tpu.memory_space<vmem>>, vector<16xf32>,
    %iota3A_237 = tpu.iota {dimensions = array<i32: 0>} : vector<16xi32>
    %add3A_238 = arith.constant 416 : i32
    %add3A_239 = vector.broadcast %add3A_238 : i32 to vector<16xi32>
    %add3A_240 = arith.addi %iota3A_237, %add3A_239 : vector<16xi32>
    %get3A_241 = arith.constant 416 : index
    %get3A_242 = tpu.vector_load %arg7[%get3A_241] {strides = array<i32>} : memref<512xi32, #tpu.memory_space<vmem>>, vector<16xi32>,
    %gather3A_243 = tpu.vector_load_idx %arg8[%add3A_240, %get3A_242] : memref<512x128xf32, #tpu.memory_space<vmem>>[vector<16xi32>, vector<16xi32>], vector<16xf32>,
    %swap3A_244 = arith.constant 416 : index
    %swap3A_245 = tpu.vector_load %arg9[%swap3A_244] {strides = array<i32>} : memref<512xf32, #tpu.memory_space<vmem>>, vector<16xf32>,
    tpu.vector_store %arg9[%swap3A_244], %gather3A_243 {strides = array<i32>} : memref<512xf32, #tpu.memory_space<vmem>>, vector<16xf32>,
    %iota3A_246 = tpu.iota {dimensions = array<i32: 0>} : vector<16xi32>
    %add3A_247 = arith.constant 432 : i32
    %add3A_248 = vector.broadcast %add3A_247 : i32 to vector<16xi32>
    %add3A_249 = arith.addi %iota3A_246, %add3A_248 : vector<16xi32>
    %get3A_250 = arith.constant 432 : index
    %get3A_251 = tpu.vector_load %arg7[%get3A_250] {strides = array<i32>} : memref<512xi32, #tpu.memory_space<vmem>>, vector<16xi32>,
    %gather3A_252 = tpu.vector_load_idx %arg8[%add3A_249, %get3A_251] : memref<512x128xf32, #tpu.memory_space<vmem>>[vector<16xi32>, vector<16xi32>], vector<16xf32>,
    %swap3A_253 = arith.constant 432 : index
    %swap3A_254 = tpu.vector_load %arg9[%swap3A_253] {strides = array<i32>} : memref<512xf32, #tpu.memory_space<vmem>>, vector<16xf32>,
    tpu.vector_store %arg9[%swap3A_253], %gather3A_252 {strides = array<i32>} : memref<512xf32, #tpu.memory_space<vmem>>, vector<16xf32>,
    %iota3A_255 = tpu.iota {dimensions = array<i32: 0>} : vector<16xi32>
    %add3A_256 = arith.constant 448 : i32
    %add3A_257 = vector.broadcast %add3A_256 : i32 to vector<16xi32>
    %add3A_258 = arith.addi %iota3A_255, %add3A_257 : vector<16xi32>
    %get3A_259 = arith.constant 448 : index
    %get3A_260 = tpu.vector_load %arg7[%get3A_259] {strides = array<i32>} : memref<512xi32, #tpu.memory_space<vmem>>, vector<16xi32>,
    %gather3A_261 = tpu.vector_load_idx %arg8[%add3A_258, %get3A_260] : memref<512x128xf32, #tpu.memory_space<vmem>>[vector<16xi32>, vector<16xi32>], vector<16xf32>,
    %swap3A_262 = arith.constant 448 : index
    %swap3A_263 = tpu.vector_load %arg9[%swap3A_262] {strides = array<i32>} : memref<512xf32, #tpu.memory_space<vmem>>, vector<16xf32>,
    tpu.vector_store %arg9[%swap3A_262], %gather3A_261 {strides = array<i32>} : memref<512xf32, #tpu.memory_space<vmem>>, vector<16xf32>,
    %iota3A_264 = tpu.iota {dimensions = array<i32: 0>} : vector<16xi32>
    %add3A_265 = arith.constant 464 : i32
    %add3A_266 = vector.broadcast %add3A_265 : i32 to vector<16xi32>
    %add3A_267 = arith.addi %iota3A_264, %add3A_266 : vector<16xi32>
    %get3A_268 = arith.constant 464 : index
    %get3A_269 = tpu.vector_load %arg7[%get3A_268] {strides = array<i32>} : memref<512xi32, #tpu.memory_space<vmem>>, vector<16xi32>,
    %gather3A_270 = tpu.vector_load_idx %arg8[%add3A_267, %get3A_269] : memref<512x128xf32, #tpu.memory_space<vmem>>[vector<16xi32>, vector<16xi32>], vector<16xf32>,
    %swap3A_271 = arith.constant 464 : index
    %swap3A_272 = tpu.vector_load %arg9[%swap3A_271] {strides = array<i32>} : memref<512xf32, #tpu.memory_space<vmem>>, vector<16xf32>,
    tpu.vector_store %arg9[%swap3A_271], %gather3A_270 {strides = array<i32>} : memref<512xf32, #tpu.memory_space<vmem>>, vector<16xf32>,
    %iota3A_273 = tpu.iota {dimensions = array<i32: 0>} : vector<16xi32>
    %add3A_274 = arith.constant 480 : i32
    %add3A_275 = vector.broadcast %add3A_274 : i32 to vector<16xi32>
    %add3A_276 = arith.addi %iota3A_273, %add3A_275 : vector<16xi32>
    %get3A_277 = arith.constant 480 : index
    %get3A_278 = tpu.vector_load %arg7[%get3A_277] {strides = array<i32>} : memref<512xi32, #tpu.memory_space<vmem>>, vector<16xi32>,
    %gather3A_279 = tpu.vector_load_idx %arg8[%add3A_276, %get3A_278] : memref<512x128xf32, #tpu.memory_space<vmem>>[vector<16xi32>, vector<16xi32>], vector<16xf32>,
    %swap3A_280 = arith.constant 480 : index
    %swap3A_281 = tpu.vector_load %arg9[%swap3A_280] {strides = array<i32>} : memref<512xf32, #tpu.memory_space<vmem>>, vector<16xf32>,
    tpu.vector_store %arg9[%swap3A_280], %gather3A_279 {strides = array<i32>} : memref<512xf32, #tpu.memory_space<vmem>>, vector<16xf32>,
    %iota3A_282 = tpu.iota {dimensions = array<i32: 0>} : vector<16xi32>
    %add3A_283 = arith.constant 496 : i32
    %add3A_284 = vector.broadcast %add3A_283 : i32 to vector<16xi32>
    %add3A_285 = arith.addi %iota3A_282, %add3A_284 : vector<16xi32>
    %get3A_286 = arith.constant 496 : index
    %get3A_287 = tpu.vector_load %arg7[%get3A_286] {strides = array<i32>} : memref<512xi32, #tpu.memory_space<vmem>>, vector<16xi32>,
    %gather3A_288 = tpu.vector_load_idx %arg8[%add3A_285, %get3A_287] : memref<512x128xf32, #tpu.memory_space<vmem>>[vector<16xi32>, vector<16xi32>], vector<16xf32>,
    %swap3A_289 = arith.constant 496 : index
    %swap3A_290 = tpu.vector_load %arg9[%swap3A_289] {strides = array<i32>} : memref<512xf32, #tpu.memory_space<vmem>>, vector<16xf32>,
    tpu.vector_store %arg9[%swap3A_289], %gather3A_288 {strides = array<i32>} : memref<512xf32, #tpu.memory_space<vmem>>, vector<16xf32>,
    "tpu.region"() ({
      %run_scoped3A = tpu.sem_alloc : memref<!tpu.dma_semaphore, #tpu.memory_space<semaphore_mem>>
      %dma_start3A_291 = tpu.memref_slice %arg5[%mul3A_2] : memref<16384xf32, #tpu.memory_space<hbm>> -> memref<512xf32, #tpu.memory_space<hbm>>
      %dma_start3A_292 = tpu.memref_slice %arg5[%mul3A_2] : memref<16384xf32, #tpu.memory_space<hbm>> -> memref<512xf32, #tpu.memory_space<hbm>>
      tpu.enqueue_dma source(%arg9 : memref<512xf32, #tpu.memory_space<vmem>>) target(%dma_start3A_292 : memref<512xf32, #tpu.memory_space<hbm>>) target_semaphore(%run_scoped3A : memref<!tpu.dma_semaphore, #tpu.memory_space<semaphore_mem>>)
      %dma_wait3A_293 = tpu.memref_slice %arg5[%mul3A_2] : memref<16384xf32, #tpu.memory_space<hbm>> -> memref<512xf32, #tpu.memory_space<hbm>>
      %dma_wait3A_294 = tpu.memref_slice %arg5[%mul3A_2] : memref<16384xf32, #tpu.memory_space<hbm>> -> memref<512xf32, #tpu.memory_space<hbm>>
      tpu.wait_dma2 semaphore(%run_scoped3A : memref<!tpu.dma_semaphore, #tpu.memory_space<semaphore_mem>>) src(%arg9 : memref<512xf32, #tpu.memory_space<vmem>>) dst(%dma_wait3A_294 : memref<512xf32, #tpu.memory_space<hbm>>)
      tpu.yield
    }) : () -> ()
    return
  }
}

module attributes {stable_mosaic.version = 14 : i64} {
  func.func @_lse_kernel(%arg0: i32, %arg1: memref<1000x256xf32, #tpu.memory_space<vmem>>, %arg2: memref<1000x256xf32, #tpu.memory_space<vmem>>, %arg3: memref<1000x256xf32, #tpu.memory_space<vmem>>, %arg4: memref<1000x256xf32, #tpu.memory_space<vmem>>, %arg5: memref<1000x256xf32, #tpu.memory_space<vmem>>, %arg6: memref<1000x256xf32, #tpu.memory_space<vmem>>, %arg7: memref<1000x256xf32, #tpu.memory_space<vmem>>, %arg8: memref<1000x256xf32, #tpu.memory_space<vmem>>, %arg9: memref<1x1x2048xf32, #tpu.memory_space<vmem>>) attributes {dimension_semantics = [#tpu.dimension_semantics<arbitrary>], iteration_bounds = array<i64: 8>, scalar_prefetch = 0 : i64, scratch_operands = 0 : i64, tpu.core_type = #tpu.core_type<tc>, window_params = [{transform_indices = @transform_0, window_bounds = array<i64: 1000, 256>}, {transform_indices = @transform_1, window_bounds = array<i64: 1000, 256>}, {transform_indices = @transform_2, window_bounds = array<i64: 1000, 256>}, {transform_indices = @transform_3, window_bounds = array<i64: 1000, 256>}, {transform_indices = @transform_4, window_bounds = array<i64: 1000, 256>}, {transform_indices = @transform_5, window_bounds = array<i64: 1000, 256>}, {transform_indices = @transform_6, window_bounds = array<i64: 1000, 256>}, {transform_indices = @transform_7, window_bounds = array<i64: 1000, 256>}, {transform_indices = @transform_8, window_bounds = array<i64: 1, 1, 2048>}]} {
    %get3A = arith.constant 0 : index
    %get3A_0 = arith.constant 0 : index
    %get3A_1 = vector.load %arg1[%get3A, %get3A_0] : memref<1000x256xf32, #tpu.memory_space<vmem>>, vector<1000x256xf32>
    %exp3A = math.exp %get3A_1 : vector<1000x256xf32>
    %reshape3A = vector.shape_cast %exp3A : vector<1000x256xf32> to vector<125x8x256xf32>
    %reduce_sum3A = arith.constant dense<0.000000e+00> : vector<8x256xf32>
    %reduce_sum3A_2 = vector.multi_reduction <add>, %reshape3A, %reduce_sum3A [0] : vector<125x8x256xf32> to vector<8x256xf32>
    %get3A_3 = arith.constant 0 : index
    %get3A_4 = arith.constant 0 : index
    %get3A_5 = vector.load %arg2[%get3A_3, %get3A_4] : memref<1000x256xf32, #tpu.memory_space<vmem>>, vector<1000x256xf32>
    %exp3A_6 = math.exp %get3A_5 : vector<1000x256xf32>
    %reshape3A_7 = vector.shape_cast %exp3A_6 : vector<1000x256xf32> to vector<125x8x256xf32>
    %reduce_sum3A_8 = arith.constant dense<0.000000e+00> : vector<8x256xf32>
    %reduce_sum3A_9 = vector.multi_reduction <add>, %reshape3A_7, %reduce_sum3A_8 [0] : vector<125x8x256xf32> to vector<8x256xf32>
    %get3A_10 = arith.constant 0 : index
    %get3A_11 = arith.constant 0 : index
    %get3A_12 = vector.load %arg3[%get3A_10, %get3A_11] : memref<1000x256xf32, #tpu.memory_space<vmem>>, vector<1000x256xf32>
    %exp3A_13 = math.exp %get3A_12 : vector<1000x256xf32>
    %reshape3A_14 = vector.shape_cast %exp3A_13 : vector<1000x256xf32> to vector<125x8x256xf32>
    %reduce_sum3A_15 = arith.constant dense<0.000000e+00> : vector<8x256xf32>
    %reduce_sum3A_16 = vector.multi_reduction <add>, %reshape3A_14, %reduce_sum3A_15 [0] : vector<125x8x256xf32> to vector<8x256xf32>
    %get3A_17 = arith.constant 0 : index
    %get3A_18 = arith.constant 0 : index
    %get3A_19 = vector.load %arg4[%get3A_17, %get3A_18] : memref<1000x256xf32, #tpu.memory_space<vmem>>, vector<1000x256xf32>
    %exp3A_20 = math.exp %get3A_19 : vector<1000x256xf32>
    %reshape3A_21 = vector.shape_cast %exp3A_20 : vector<1000x256xf32> to vector<125x8x256xf32>
    %reduce_sum3A_22 = arith.constant dense<0.000000e+00> : vector<8x256xf32>
    %reduce_sum3A_23 = vector.multi_reduction <add>, %reshape3A_21, %reduce_sum3A_22 [0] : vector<125x8x256xf32> to vector<8x256xf32>
    %get3A_24 = arith.constant 0 : index
    %get3A_25 = arith.constant 0 : index
    %get3A_26 = vector.load %arg5[%get3A_24, %get3A_25] : memref<1000x256xf32, #tpu.memory_space<vmem>>, vector<1000x256xf32>
    %exp3A_27 = math.exp %get3A_26 : vector<1000x256xf32>
    %reshape3A_28 = vector.shape_cast %exp3A_27 : vector<1000x256xf32> to vector<125x8x256xf32>
    %reduce_sum3A_29 = arith.constant dense<0.000000e+00> : vector<8x256xf32>
    %reduce_sum3A_30 = vector.multi_reduction <add>, %reshape3A_28, %reduce_sum3A_29 [0] : vector<125x8x256xf32> to vector<8x256xf32>
    %get3A_31 = arith.constant 0 : index
    %get3A_32 = arith.constant 0 : index
    %get3A_33 = vector.load %arg6[%get3A_31, %get3A_32] : memref<1000x256xf32, #tpu.memory_space<vmem>>, vector<1000x256xf32>
    %exp3A_34 = math.exp %get3A_33 : vector<1000x256xf32>
    %reshape3A_35 = vector.shape_cast %exp3A_34 : vector<1000x256xf32> to vector<125x8x256xf32>
    %reduce_sum3A_36 = arith.constant dense<0.000000e+00> : vector<8x256xf32>
    %reduce_sum3A_37 = vector.multi_reduction <add>, %reshape3A_35, %reduce_sum3A_36 [0] : vector<125x8x256xf32> to vector<8x256xf32>
    %get3A_38 = arith.constant 0 : index
    %get3A_39 = arith.constant 0 : index
    %get3A_40 = vector.load %arg7[%get3A_38, %get3A_39] : memref<1000x256xf32, #tpu.memory_space<vmem>>, vector<1000x256xf32>
    %exp3A_41 = math.exp %get3A_40 : vector<1000x256xf32>
    %reshape3A_42 = vector.shape_cast %exp3A_41 : vector<1000x256xf32> to vector<125x8x256xf32>
    %reduce_sum3A_43 = arith.constant dense<0.000000e+00> : vector<8x256xf32>
    %reduce_sum3A_44 = vector.multi_reduction <add>, %reshape3A_42, %reduce_sum3A_43 [0] : vector<125x8x256xf32> to vector<8x256xf32>
    %get3A_45 = arith.constant 0 : index
    %get3A_46 = arith.constant 0 : index
    %get3A_47 = vector.load %arg8[%get3A_45, %get3A_46] : memref<1000x256xf32, #tpu.memory_space<vmem>>, vector<1000x256xf32>
    %exp3A_48 = math.exp %get3A_47 : vector<1000x256xf32>
    %reshape3A_49 = vector.shape_cast %exp3A_48 : vector<1000x256xf32> to vector<125x8x256xf32>
    %reduce_sum3A_50 = arith.constant dense<0.000000e+00> : vector<8x256xf32>
    %reduce_sum3A_51 = vector.multi_reduction <add>, %reshape3A_49, %reduce_sum3A_50 [0] : vector<125x8x256xf32> to vector<8x256xf32>
    %concatenate3A = tpu.concatenate %reduce_sum3A_2, %reduce_sum3A_9, %reduce_sum3A_16, %reduce_sum3A_23, %reduce_sum3A_30, %reduce_sum3A_37, %reduce_sum3A_44, %reduce_sum3A_51 in 1 : vector<8x256xf32>, vector<8x256xf32>, vector<8x256xf32>, vector<8x256xf32>, vector<8x256xf32>, vector<8x256xf32>, vector<8x256xf32>, vector<8x256xf32> -> vector<8x2048xf32>
    %reduce_sum3A_52 = arith.constant dense<0.000000e+00> : vector<2048xf32>
    %reduce_sum3A_53 = vector.multi_reduction <add>, %concatenate3A, %reduce_sum3A_52 [0] : vector<8x2048xf32> to vector<2048xf32>
    %broadcast_in_dim3A = vector.shape_cast %reduce_sum3A_53 : vector<2048xf32> to vector<1x2048xf32>
    %log3A = math.log %broadcast_in_dim3A : vector<1x2048xf32>
    %broadcast_in_dim3A_54 = vector.shape_cast %log3A : vector<1x2048xf32> to vector<1x1x2048xf32>
    %swap3A = arith.constant 0 : index
    %swap3A_55 = arith.constant 0 : index
    %swap3A_56 = arith.constant 0 : index
    %swap3A_57 = vector.load %arg9[%swap3A, %swap3A_55, %swap3A_56] : memref<1x1x2048xf32, #tpu.memory_space<vmem>>, vector<1x1x2048xf32>
    tpu.vector_store %arg9[%swap3A, %swap3A_55, %swap3A_56], %broadcast_in_dim3A_54 {strides = array<i32>} : memref<1x1x2048xf32, #tpu.memory_space<vmem>>, vector<1x1x2048xf32>,
    return
  }
  func.func @transform_0(%arg0: i32) -> (i32, i32) {
    %mul3A = arith.constant 8 : i32
    %mul3A_0 = arith.muli %arg0, %mul3A : i32
    %add3A = arith.constant 0 : i32
    %add3A_1 = arith.addi %mul3A_0, %add3A : i32
    %c0_i32 = arith.constant 0 : i32
    %c0_i32_2 = arith.constant 0 : i32
    return %c0_i32, %add3A_1 : i32, i32
  }
  func.func @transform_1(%arg0: i32) -> (i32, i32) {
    %mul3A = arith.constant 8 : i32
    %mul3A_0 = arith.muli %arg0, %mul3A : i32
    %add3A = arith.constant 1 : i32
    %add3A_1 = arith.addi %mul3A_0, %add3A : i32
    %c0_i32 = arith.constant 0 : i32
    %c0_i32_2 = arith.constant 0 : i32
    return %c0_i32, %add3A_1 : i32, i32
  }
  func.func @transform_2(%arg0: i32) -> (i32, i32) {
    %mul3A = arith.constant 8 : i32
    %mul3A_0 = arith.muli %arg0, %mul3A : i32
    %add3A = arith.constant 2 : i32
    %add3A_1 = arith.addi %mul3A_0, %add3A : i32
    %c0_i32 = arith.constant 0 : i32
    %c0_i32_2 = arith.constant 0 : i32
    return %c0_i32, %add3A_1 : i32, i32
  }
  func.func @transform_3(%arg0: i32) -> (i32, i32) {
    %mul3A = arith.constant 8 : i32
    %mul3A_0 = arith.muli %arg0, %mul3A : i32
    %add3A = arith.constant 3 : i32
    %add3A_1 = arith.addi %mul3A_0, %add3A : i32
    %c0_i32 = arith.constant 0 : i32
    %c0_i32_2 = arith.constant 0 : i32
    return %c0_i32, %add3A_1 : i32, i32
  }
  func.func @transform_4(%arg0: i32) -> (i32, i32) {
    %mul3A = arith.constant 8 : i32
    %mul3A_0 = arith.muli %arg0, %mul3A : i32
    %add3A = arith.constant 4 : i32
    %add3A_1 = arith.addi %mul3A_0, %add3A : i32
    %c0_i32 = arith.constant 0 : i32
    %c0_i32_2 = arith.constant 0 : i32
    return %c0_i32, %add3A_1 : i32, i32
  }
  func.func @transform_5(%arg0: i32) -> (i32, i32) {
    %mul3A = arith.constant 8 : i32
    %mul3A_0 = arith.muli %arg0, %mul3A : i32
    %add3A = arith.constant 5 : i32
    %add3A_1 = arith.addi %mul3A_0, %add3A : i32
    %c0_i32 = arith.constant 0 : i32
    %c0_i32_2 = arith.constant 0 : i32
    return %c0_i32, %add3A_1 : i32, i32
  }
  func.func @transform_6(%arg0: i32) -> (i32, i32) {
    %mul3A = arith.constant 8 : i32
    %mul3A_0 = arith.muli %arg0, %mul3A : i32
    %add3A = arith.constant 6 : i32
    %add3A_1 = arith.addi %mul3A_0, %add3A : i32
    %c0_i32 = arith.constant 0 : i32
    %c0_i32_2 = arith.constant 0 : i32
    return %c0_i32, %add3A_1 : i32, i32
  }
  func.func @transform_7(%arg0: i32) -> (i32, i32) {
    %mul3A = arith.constant 8 : i32
    %mul3A_0 = arith.muli %arg0, %mul3A : i32
    %add3A = arith.constant 7 : i32
    %add3A_1 = arith.addi %mul3A_0, %add3A : i32
    %c0_i32 = arith.constant 0 : i32
    %c0_i32_2 = arith.constant 0 : i32
    return %c0_i32, %add3A_1 : i32, i32
  }
  func.func @transform_8(%arg0: i32) -> (i32, i32, i32) {
    %c0_i32 = arith.constant 0 : i32
    %c0_i32_0 = arith.constant 0 : i32
    %c0_i32_1 = arith.constant 0 : i32
    return %arg0, %c0_i32, %c0_i32_0 : i32, i32, i32
  }
}

module attributes {stable_mosaic.version = 14 : i64} {
  func.func @_select_kernel(%arg0: memref<8x2048xf32, #tpu.memory_space<vmem>>, %arg1: memref<8x2048xf32, #tpu.memory_space<vmem>>, %arg2: memref<1x1xf32, #tpu.memory_space<smem>>) attributes {dimension_semantics = [], scalar_prefetch = 0 : i64, scratch_operands = 0 : i64, tpu.core_type = #tpu.core_type<tc>} {
    %get3A = arith.constant 0 : index
    %get3A_0 = arith.constant 0 : index
    %get3A_1 = vector.load %arg0[%get3A, %get3A_0] : memref<8x2048xf32, #tpu.memory_space<vmem>>, vector<8x2048xf32>
    %get3A_2 = arith.constant 0 : index
    %get3A_3 = arith.constant 0 : index
    %get3A_4 = vector.load %arg1[%get3A_2, %get3A_3] : memref<8x2048xf32, #tpu.memory_space<vmem>>, vector<8x2048xf32>
    %sub3A = arith.subf %get3A_1, %get3A_4 : vector<8x2048xf32>
    %bitcast_convert_type3A = tpu.bitcast %sub3A : vector<8x2048xf32> -> vector<8x2048xi32>
    %ge3A = arith.constant 0 : i32
    %ge3A_5 = vector.broadcast %ge3A : i32 to vector<8x2048xi32>
    %ge3A_6 = arith.cmpi sge, %bitcast_convert_type3A, %ge3A_5 : vector<8x2048xi32>
    %xor3A = arith.constant 2147483647 : i32
    %xor3A_7 = vector.broadcast %xor3A : i32 to vector<8x2048xi32>
    %xor3A_8 = arith.xori %bitcast_convert_type3A, %xor3A_7 : vector<8x2048xi32>
    %select_n3A = arith.select %ge3A_6, %bitcast_convert_type3A, %xor3A_8 : vector<8x2048xi1>, vector<8x2048xi32>
    %scan3A = arith.constant 0 : i32
    %scan3A_9 = arith.constant 0 : i32
    %scan3A_10 = arith.constant 32 : i32
    %scan3A_11 = arith.addi %scan3A_9, %scan3A_10 : i32
    %scan3A_12 = arith.constant 1 : i32
    %scan3A_13 = scf.for %scan3A_42 = %scan3A_9 to %scan3A_11 step %scan3A_12 iter_args(%scan3A_43 = %scan3A) -> (i32)  : i32 {
      %sub3A_44 = arith.constant 31 : i32
      %sub3A_45 = arith.subi %sub3A_44, %scan3A_42 : i32
      %shift_left3A = arith.constant 1 : i32
      %shift_left3A_46 = arith.shli %shift_left3A, %sub3A_45 : i32
      %or3A = arith.ori %scan3A_43, %shift_left3A_46 : i32
      %xor3A_47 = arith.constant -2147483648 : i32
      %xor3A_48 = arith.xori %or3A, %xor3A_47 : i32
      %ge3A_49 = vector.broadcast %xor3A_48 : i32 to vector<8x2048xi32>
      %ge3A_50 = arith.cmpi sge, %select_n3A, %ge3A_49 : vector<8x2048xi32>
      %convert_element_type3A_51 = arith.extui %ge3A_50 : vector<8x2048xi1> to vector<8x2048xi32>
      %reduce_sum3A_52 = vector.shape_cast %convert_element_type3A_51 : vector<8x2048xi32> to vector<1x8x2048xi32>
      %reduce_sum3A_53 = arith.constant dense<0> : vector<1xi32>
      %reduce_sum3A_54 = vector.multi_reduction <add>, %reduce_sum3A_52, %reduce_sum3A_53 [1, 2] : vector<1x8x2048xi32> to vector<1xi32>
      %reduce_sum3A_55 = vector.shape_cast %reduce_sum3A_54 : vector<1xi32> to vector<1x1x1xi32>
      %reduce_sum3A_56 = vector.extract %reduce_sum3A_55[0, 0, 0] : i32 from vector<1x1x1xi32>
      %ge3A_57 = arith.constant 11468 : i32
      %ge3A_58 = arith.cmpi sge, %reduce_sum3A_56, %ge3A_57 : i32
      %select_n3A_59 = arith.select %ge3A_58, %or3A, %scan3A_43 : i32
      scf.yield %select_n3A_59 : i32
    }
    %scan3A_14 = arith.constant 32 : i32
    %xor3A_15 = arith.constant -2147483648 : i32
    %xor3A_16 = arith.xori %scan3A_13, %xor3A_15 : i32
    %gt3A = vector.broadcast %xor3A_16 : i32 to vector<8x2048xi32>
    %gt3A_17 = arith.cmpi sgt, %select_n3A, %gt3A : vector<8x2048xi32>
    %convert_element_type3A = arith.extui %gt3A_17 : vector<8x2048xi1> to vector<8x2048xi32>
    %reduce_sum3A = vector.shape_cast %convert_element_type3A : vector<8x2048xi32> to vector<1x8x2048xi32>
    %reduce_sum3A_18 = arith.constant dense<0> : vector<1xi32>
    %reduce_sum3A_19 = vector.multi_reduction <add>, %reduce_sum3A, %reduce_sum3A_18 [1, 2] : vector<1x8x2048xi32> to vector<1xi32>
    %reduce_sum3A_20 = vector.shape_cast %reduce_sum3A_19 : vector<1xi32> to vector<1x1x1xi32>
    %reduce_sum3A_21 = vector.extract %reduce_sum3A_20[0, 0, 0] : i32 from vector<1x1x1xi32>
    %jit3A = arith.constant 0.000000e+00 : f32
    %broadcast_in_dim3A = vector.broadcast %jit3A : f32 to vector<8x2048xf32>
    %select_n3A_22 = arith.select %gt3A_17, %sub3A, %broadcast_in_dim3A : vector<8x2048xi1>, vector<8x2048xf32>
    %reduce_sum3A_23 = vector.shape_cast %select_n3A_22 : vector<8x2048xf32> to vector<1x8x2048xf32>
    %reduce_sum3A_24 = arith.constant dense<0.000000e+00> : vector<1xf32>
    %reduce_sum3A_25 = vector.multi_reduction <add>, %reduce_sum3A_23, %reduce_sum3A_24 [1, 2] : vector<1x8x2048xf32> to vector<1xf32>
    %reduce_sum3A_26 = vector.shape_cast %reduce_sum3A_25 : vector<1xf32> to vector<1x1x1xf32>
    %reduce_sum3A_27 = vector.extract %reduce_sum3A_26[0, 0, 0] : f32 from vector<1x1x1xf32>
    %eq3A = vector.broadcast %xor3A_16 : i32 to vector<8x2048xi32>
    %eq3A_28 = arith.cmpi eq, %select_n3A, %eq3A : vector<8x2048xi32>
    %jit3A_29 = arith.constant 0xFF800000 : f32
    %broadcast_in_dim3A_30 = vector.broadcast %jit3A_29 : f32 to vector<8x2048xf32>
    %select_n3A_31 = arith.select %eq3A_28, %sub3A, %broadcast_in_dim3A_30 : vector<8x2048xi1>, vector<8x2048xf32>
    %reduce_max3A = vector.shape_cast %select_n3A_31 : vector<8x2048xf32> to vector<1x8x2048xf32>
    %reduce_max3A_32 = arith.constant dense<0xFF800000> : vector<1xf32>
    %reduce_max3A_33 = vector.multi_reduction <maximumf>, %reduce_max3A, %reduce_max3A_32 [1, 2] : vector<1x8x2048xf32> to vector<1xf32>
    %reduce_max3A_34 = vector.shape_cast %reduce_max3A_33 : vector<1xf32> to vector<1x1x1xf32>
    %reduce_max3A_35 = vector.extract %reduce_max3A_34[0, 0, 0] : f32 from vector<1x1x1xf32>
    %sub3A_36 = arith.constant 11468 : i32
    %sub3A_37 = arith.subi %sub3A_36, %reduce_sum3A_21 : i32
    %convert_element_type3A_38 = arith.sitofp %sub3A_37 : i32 to f32
    %mul3A = arith.mulf %convert_element_type3A_38, %reduce_max3A_35 : f32
    %add3A = arith.addf %reduce_sum3A_27, %mul3A : f32
    %div3A = arith.constant 1.146800e+04 : f32
    %div3A_39 = arith.divf %add3A, %div3A : f32
    %swap3A = arith.constant 0 : index
    %swap3A_40 = arith.constant 0 : index
    %swap3A_41 = memref.load %arg2[%swap3A, %swap3A_40] : memref<1x1xf32, #tpu.memory_space<smem>>
    memref.store %div3A_39, %arg2[%swap3A, %swap3A_40] : memref<1x1xf32, #tpu.memory_space<smem>>
    return
  }
}

</mosaic_0001>

<sc_bundles>
// kernel: kernel.5.cloned.1.call-start
scs
__scs_entry_jumppad:
0x0: {  	(pc) =	sbr.rel $0x88, $3  }
0x1: {  	(tag) =	ssettag $0x0;
	lr =	simm.s32 $0x1  }
0x2: {  	[smem:$0x3F9F] =	sst lr;
	_ =	strace $0xD0000000  }
0x3: {  	_ = 	snop  }
0x4: {  	_ = 	snop  }
0x5: {  	_ = 	snop  }
0x6: {  	_ = 	snop  }
0x7: {  	_ = 	snop  }
__scs_overlays_trampoline_lowered:
0x8: {  	[smem:$0x3FAE] =	sst s0  }
0x9: {  	[smem:$0x3FAF] =	sst s1  }
0xa: {  	[smem:$0x3FB0] =	sst s2  }
0xb: {  	[smem:$0x3FB1] =	sst s3  }
0xc: {  	[smem:$0x3FB2] =	sst s4  }
0xd: {  	[smem:$0x3FB3] =	sst s5  }
0xe: {  	[smem:$0x3FB4] =	sst s6  }
0xf: {  	[smem:$0x3FB5] =	sst s7  }
0x10: {  	[smem:$0x3FB6] =	sst s8  }
0x11: {  	[smem:$0x3FB7] =	sst s9;
	s0 =	simm.s32 @!p0 $0x0  }
0x12: {  	s1 =	sld [smem:$0x3F9D];
	s0 =	simm.s32 @p0 $0x1  }
0x13: {  	[smem:$0x3FB8] =	sst s0;
	s0 =	simm.s32 @!p1 $0x0  }
0x14: {  	s2 =	sld [smem:$0x3F9C];
	s0 =	simm.s32 @p1 $0x1  }
0x15: {  	[smem:$0x3FB9] =	sst s0;
	s0 =	simm.s32 @!p2 $0x0  }
0x16: {  	s3 =	sld [smem:$0x3FDB];
	s0 =	simm.s32 @p2 $0x1  }
0x17: {  	s4 =	simm.s32 $0x1BF5;
	[smem:$0x3FBB] =	sst s0  }
0x18: {  	s0 =	sld [smem:$0x3F9E];
	_ =	swait.ge [sflag:s4], $0x0  }
0x19: {  	s7 =	sld [smem:$0x3F9F]  }
0x1a: {  	s8 =	sadd.s32 $0xFFFFE003, lr  }
0x1b: {  	s9 =	sadd.s32 $0xFFFFFEF7, lr;
	s5 =	simm.s32 $0xFFFFFFFF;
	p2 =	slt.u32 s8, $0xFFFFF086  }
0x1c: {  	p1 =	slt.u32 s9, $0xF7A;
	s5 =	simm.s32 @!p2 $0x0  }
0x1d: {  	s5 =	simm.s32 @p1 $0x1;
	p0 =	seq.s32 s7, s2  }
0x1e: {  	s7 =	smul.u32 @!p0 $0xF7A, s2;
	p2 =	seq.s32 @!p0 s5, $0x0  }
0x1f: {  	s9 =	smul.u32 $0xF7A, s1;
	s8 =	simm.s32 @!p0 $0x1BF5;
	p2 =	por !p2, p0  }
0x20: {  	[sflag:s8] =	ssyncset.s32 @!p0 $0xFFFFF086;
	s6 =	sadd.s32 @!p0 s3, s7;
	s7 =	simm.s32 @!p0 $0x108  }
0x21: {  	s3 =	sadd.s32 s3, s9;
	s6 =	sadd.s32 @!p0 $0x88, s6;
	s7 =	simm.s32 @p2 $0x1082  }
0x22: {  	[simem:s7], [sflag:s8] =	dma.local @!p0 [hbm:s6], $0xF7A  }
0x23: {  	s9 =	sor.u32 $0xD0000000, s2;
	s6 =	simm.s32 $0x108;
	_ =	swait.ge @!p0 [sflag:s8], $0x0  }
0x24: {  	s3 =	sadd.s32 $0x88, s3;
	s6 =	simm.s32 @!p1 $0x1082;
	[sflag:s4] =	ssyncset.s32 $0xFFFFF086  }
0x25: {  	[simem:s6], [sflag:s4] =	dma.local [hbm:s3], $0xF7A  }
0x26: {  	[smem:$0x3F9F] =	sst s1;
	(tag) =	ssettag s2;
	_ =	strace s9  }
0x27: {  	s1 =	sld [smem:$0x3FAF]  }
0x28: {  	s2 =	sld [smem:$0x3FB0]  }
0x29: {  	s4 =	sld [smem:$0x3FB2]  }
0x2a: {  	p0 =	seq.s32 s5, $0x0;
	s5 =	sld [smem:$0x3FB3]  }
0x2b: {  	s6 =	sld [smem:$0x3FB4]  }
0x2c: {  	s7 =	sld [smem:$0x3FB5]  }
0x2d: {  	s3 =	simm.s32 $0x108;
	s8 =	sld [smem:$0x3FB6]  }
0x2e: {  	s3 =	simm.s32 @!p0 $0x1082;
	s9 =	sld [smem:$0x3FB7]  }
0x2f: {  	lr =	sadd.s32 s0, s3;
	s0 =	sld [smem:$0x3FAE]  }
0x30: {  	s3 =	sld [smem:$0x3FB1]  }
0x31: {  	[smem:$0x3FBA] =	sst s10  }
0x32: {  	s10 =	sld [smem:$0x3FB8];
	_ =	sdelay $0x3  }
0x33: {  	p0 =	seq.s32 s10, $0x1;
	s10 =	sld [smem:$0x3FBA];
	_ =	sdelay $0x3  }
0x34: {  	[smem:$0x3FBA] =	sst s10  }
0x35: {  	s10 =	sld [smem:$0x3FB9];
	_ =	sdelay $0x3  }
0x36: {  	p1 =	seq.s32 s10, $0x1;
	s10 =	sld [smem:$0x3FBA];
	_ =	sdelay $0x3  }
0x37: {  	[smem:$0x3FBA] =	sst s10  }
0x38: {  	s10 =	sld [smem:$0x3FBB]  }
0x39: {  	_ = 	snop;
	(pc) =	sbr.ind lr, $3  }
0x3a: {  	_ = 	snop  }
0x3b: {  	_ = 	snop  }
0x3c: {  	p2 =	seq.s32 s10, $0x1;
	s10 =	sld [smem:$0x3FBA]  }
0x3d: {  	_ =	shalt  }
0x3e: {  	_ =	shalt  }
0x3f: {  	_ =	shalt  }
0x40: {  	_ =	shalt  }
0x41: {  	_ =	shalt  }
0x42: {  	_ =	shalt  }
0x43: {  	_ =	shalt  }
0x44: {  	_ =	shalt  }
0x45: {  	_ =	shalt  }
0x46: {  	_ =	shalt  }
0x47: {  	_ =	shalt  }
0x48: {  	_ =	shalt  }
0x49: {  	_ =	shalt  }
0x4a: {  	_ =	shalt  }
0x4b: {  	_ =	shalt  }
0x4c: {  	_ =	shalt  }
0x4d: {  	_ =	shalt  }
0x4e: {  	_ =	shalt  }
0x4f: {  	_ =	shalt  }
0x50: {  	_ =	shalt  }
0x51: {  	_ =	shalt  }
0x52: {  	_ =	shalt  }
0x53: {  	_ =	shalt  }
0x54: {  	_ =	shalt  }
0x55: {  	_ =	shalt  }
0x56: {  	_ =	shalt  }
0x57: {  	_ =	shalt  }
0x58: {  	_ =	shalt  }
0x59: {  	_ =	shalt  }
0x5a: {  	_ =	shalt  }
0x5b: {  	_ =	shalt  }
0x5c: {  	_ =	shalt  }
0x5d: {  	_ =	shalt  }
0x5e: {  	_ =	shalt  }
0x5f: {  	_ =	shalt  }
0x60: {  	_ =	shalt  }
0x61: {  	_ =	shalt  }
0x62: {  	_ =	shalt  }
0x63: {  	_ =	shalt  }
0x64: {  	_ =	shalt  }
0x65: {  	_ =	shalt  }
0x66: {  	_ =	shalt  }
0x67: {  	_ =	shalt  }
0x68: {  	_ =	shalt  }
0x69: {  	_ =	shalt  }
0x6a: {  	_ =	shalt  }
0x6b: {  	_ =	shalt  }
0x6c: {  	_ =	shalt  }
0x6d: {  	_ =	shalt  }
0x6e: {  	_ =	shalt  }
0x6f: {  	_ =	shalt  }
0x70: {  	_ =	shalt  }
0x71: {  	_ =	shalt  }
0x72: {  	_ =	shalt  }
0x73: {  	_ =	shalt  }
0x74: {  	_ =	shalt  }
0x75: {  	_ =	shalt  }
0x76: {  	_ =	shalt  }
0x77: {  	_ =	shalt  }
0x78: {  	_ =	shalt  }
0x79: {  	_ =	shalt  }
0x7a: {  	_ =	shalt  }
0x7b: {  	_ =	shalt  }
0x7c: {  	_ =	shalt  }
0x7d: {  	_ =	shalt  }
0x7e: {  	_ =	shalt  }
0x7f: {  	_ =	shalt  }
0x80: {  	_ =	shalt  }
0x81: {  	_ =	shalt  }
0x82: {  	_ =	shalt  }
0x83: {  	_ =	shalt  }
0x84: {  	_ =	shalt  }
0x85: {  	_ =	shalt  }
0x86: {  	_ =	shalt  }
0x87: {  	_ =	shalt  }
.Lfunc_end0:
.L_simem_size_0:
called_computation_lowered:
.L_overlay_start_0:
0x88: {  	s2 =	sld [smem:$0x3FD9]  }
0x89: {  	s3 =	sld [smem:$0x3FFE];
	_ =	sdelay $0x1  }
0x8a: {  	s1 =	srdreg.scid  }
0x8b: {  	s0 =	sand.u32 $0x1, s1  }
0x8c: {  	s16 =	sshll.u32 s0, $0xA;
	s2 =	sadd.s32 s3, s2  }
0x8d: {  	s2 =	sadd.s32 s2, s16  }
0x8e: {  	[smem:$0x3FC6] =	sst s2  }
0x8f: {  	_ = 	snop  }
0x90: {  	(tm) =	ssettm $0x1  }
0x91: {  	s17 =	sld [smem:$0x3FFB];
	_ =	sdelay $0x3  }
0x92: {  	_ =	strace s17  }
0x93: {  	s2 =	sld [smem:$0x3FFC];
	_ =	sdelay $0x3  }
0x94: {  	_ =	strace s2  }
0x95: {  	s2 =	sld [smem:$0x3FFD];
	_ =	sdelay $0x3  }
0x96: {  	_ =	strace s2  }
0x97: {  	_ =	strace $0x8FFFFFFF  }
0x98: {  	s18 =	sld [smem:$0x3FDB];
	_ =	sdelay $0x1  }
0x99: {  	s19 =	simm.s32 $_scs_section_size  }
0x9a: {  	s4 =	simm.s32 $_size__tile_overlayer_lowered;
	s5 =	simm.s32 $_tile_overlayer_lowered  }
0x9b: {  	s22 =	simm.s32 $0x1BFF;
	s21 =	sshll.u32 s5, $0x1;
	s2 =	sadd.s32 s19, s18  }
0x9c: {  	s6 =	simm.s32 $0x0;
	s20 =	sshll.u32 s4, $0x1;
	s4 =	sadd.s32 s21, s2  }
0x9d: {  	[timem:s6], [sflag:s22] =	dma.local [hbm:s4], s20  }
0x9e: {  	_ =	swait.ge [sflag:s22], s20  }
0x9f: {  	s3 =	ssub.s32 $0x0, s20;
	[sflag:s22] =	ssyncset.done $0x0  }
0xa0: {  	[sflag:s22] =	ssyncadd.s32 s3;
	_ =	sdelay $0x1  }
0xa1: {  	s23 =	simm.s32 $0x1B8B  }
0xa2: {  	_ =	swait.ge [sflag:s23], $0x1  }
0xa3: {  	[sflag:s23] =	ssyncset.done $0x0  }
0xa4: {  	s25 =	simm.s32 $0x1B8E;
	s24 =	sld [smem:$0x3FFE];
	[sflag:s23] =	ssyncadd.s32 $0xFFFFFFFF  }
0xa5: {  	s26 =	simm.s32 $execute0_lowered;
	[smem:$0x3FD2] =	sst s25  }
0xa6: {  	s4 =	sshll.u32 s26, $0x1;
	_ =	strace $0x80000046;
	[dreg:$0x1] =	wrdreg $0xFFFFFFFF  }
0xa7: {  	s28 =	simm.s32 $_size_execute0_lowered;
	s2 =	sadd.s32 s2, s4;
	[dreg:$0x0] =	wrdreg $0x0  }
0xa8: {  	s4 =	sshll.u32 s28, $0x1;
	[dreg:$0x2] =	wrdreg s2  }
0xa9: {  	[dreg:$0x3] =	wrdreg s4  }
0xaa: {  	[dreg:$0x4] =	wrdreg $0xC0  }
0xab: {  	_ =	task [dreg:s6], $0x5FFFF  }
0xac: {  	[dreg:$0x1] =	wrdreg $0xFFFFFFFF  }
0xad: {  	[dreg:$0x0] =	wrdreg $0x60  }
0xae: {  	[dreg:$0x2] =	wrdreg s24  }
0xaf: {  	[dreg:$0x3] =	wrdreg $0x9  }
0xb0: {  	_ =	task.clear_ibuf [dreg:s6], $0x4FFFF;
	_ =	strace $0x90000046  }
0xb1: {  	s29 =	simm.s32 $0x9;
	_ =	strace $0x80000048  }
0xb2: {  	_ =	swait.ge [sflag:s29], $0x1  }
0xb3: {  	[sflag:s29] =	ssyncadd.s32 $0xFFFFFFFF  }
0xb4: {  	_ =	strace $0x90000048  }
0xb5: {  	_ =	sfence  }
0xb6: {  	s30 =	sld [smem:$0x0];
	_ =	sdelay $0x2  }
0xb7: {  	s31 =	sshll.u32 s1, $0xD;
	s1 =	sshrl.u32 s1, $0x2  }
0xb8: {  	s3 =	sand.u32 $0x4000, s31;
	s1 =	sadd.s32 s1, s30  }
0xb9: {  	s0 =	sor.u32 s3, s0;
	s1 =	sshll.u32 s1, $0x11  }
0xba: {  	s0 =	sor.u32 s1, s0  }
0xbb: {  	s0 =	sadd.s32 $0x8F2B, s0  }
0xbc: {  	[sflag:s0] =	ssyncadd.remote.s32 $0x1  }
0xbd: {  	_ =	sfence.sel $0xFFFF  }
0xbe: {  	[dreg:$0x0] =	wrdreg $0xFFFFFFFF;
	(pc) =	sbr.abs _section_cstart, $3  }
0xbf: {  	[dreg:$0x1] =	wrdreg $0xFFFFFFFF  }
0xc0: {  	_ =	task.clear_ibuf [dreg:s6], $0x2FFFF;
	_ =	strace $0x9FFFFFFF  }
0xc1: {  	(tm) =	ssettm $0x7FFFFFFF  }
tec
execute0_lowered:
.L_overlay_start_1:
0x0: {  	(tag) =	ssettag $0x1  }
0x1: {  	s1 =	srdreg.scid  }
0x2: {  	s0 =	stileid.u32;
	s10 =	sand.u32 $0x1, s1  }
0x3: {  	s7 =	rddreg [dreg:$0x0];
	s3 =	sshll.u32 s0, $0x7;
	s4 =	sshll.u32 s10, $0x6  }
0x4: {  	s2 =	simm.s32 $0x0;
	s1 =	rddreg [dreg:$0x1];
	s3 =	sor.u32 s4, s3  }
0x5: {  	[smem:$0x7FF] =	sst s2;
	s11 =	sadd.s32 s3, s7  }
0x6: {  	_ =	strace $0x80000047;
	s3 =	simm.s32 $0x2;
	s4 =	sadd.s32 $0x1F5000, s11  }
0x7: {  	[tilespmem:s2], [sflag:$0x2] =	stream.linear.gather [hbm4b:s4+s2], $0x200, $0x38;
	[tilespmem:$0x10600] =	vst v63  }
0x8: {  	_ =	swait.ge [sflag:s3], $0x200  }
0x9: {  	[sflag:s3] =	ssyncset.done $0x0  }
0xa: {  	s6 =	simm.s32 $0x200;
	s5 =	sadd.s32 $0x1F4800, s11;
	[sflag:s3] =	ssyncadd.s32 $0xFFFFFE00  }
0xb: {  	[tilespmem:s6], [sflag:$0x2] =	stream.linear.gather [hbm4b:s5+s2], $0x200, $0x38;
	[tilespmem:$0x10600] =	vst v63  }
0xc: {  	_ =	swait.ge [sflag:s3], $0x200  }
0xd: {  	s8 =	simm.s32 $0x400;
	[sflag:s3] =	ssyncset.done $0x0  }
0xe: {  	s9 =	simm.s32 $0x1;
	s7 =	sadd.s32 $0x800, s7;
	[sflag:s3] =	ssyncadd.s32 $0xFFFFFE00  }
0xf: {  	[tilespmem:s8], [sflag:$0x1] =	stream.indirect.gather [hbm4b:s7+s6], $0x80, s2, s6, $0xb8;
	[tilespmem:$0x10600] =	vst v63  }
0x10: {  	_ =	swait.ge [sflag:s9], $0x10000  }
0x11: {  	[sflag:s9] =	ssyncset.done $0x0  }
0x12: {  	[sflag:s9] =	ssyncadd.s32 $0xFFFF0000  }
0x13: {  	v1 =	vld [tilespmem:$0x200];
	_ =	sdelay $0x1  }
0x14: {  	v0 =	vlaneseq.u32  }
0x15: {  	v0 =	vmul.u32 $0x80, v0;
	_ =	sdelay $0x1  }
0x16: {  	v2 =	vadd.s32 v0, v1  }
0x17: {  	v3 =	vld [tilespmem:$0x210];
	_ =	sdelay $0x3  }
0x18: {  	v1 =	vor.u32 $0x800, v0;
	v2 =	vld.idx.msk [tilespmem:v2+s8+$0x0], $0xffff  }
0x19: {  	v3 =	vadd.s32 v1, v3  }
0x1a: {  	v4 =	vld [tilespmem:$0x220];
	_ =	sdelay $0x2  }
0x1b: {  	[tilespmem:$0x10400] =	vst v2  }
0x1c: {  	v2 =	vor.u32 $0x1000, v0;
	v3 =	vld.idx.msk [tilespmem:v3+s8+$0x0], $0xffff  }
0x1d: {  	v4 =	vadd.s32 v2, v4  }
0x1e: {  	v5 =	vld [tilespmem:$0x230];
	_ =	sdelay $0x2  }
0x1f: {  	[tilespmem:$0x10410] =	vst v3  }
0x20: {  	v3 =	vor.u32 $0x1800, v0;
	v4 =	vld.idx.msk [tilespmem:v4+s8+$0x0], $0xffff  }
0x21: {  	v5 =	vadd.s32 v3, v5  }
0x22: {  	v6 =	vld [tilespmem:$0x240];
	_ =	sdelay $0x2  }
0x23: {  	[tilespmem:$0x10420] =	vst v4  }
0x24: {  	v4 =	vor.u32 $0x2000, v0;
	v5 =	vld.idx.msk [tilespmem:v5+s8+$0x0], $0xffff  }
0x25: {  	v6 =	vadd.s32 v4, v6  }
0x26: {  	v7 =	vld [tilespmem:$0x250];
	_ =	sdelay $0x2  }
0x27: {  	[tilespmem:$0x10430] =	vst v5  }
0x28: {  	v5 =	vor.u32 $0x2800, v0;
	v6 =	vld.idx.msk [tilespmem:v6+s8+$0x0], $0xffff  }
0x29: {  	v7 =	vadd.s32 v5, v7  }
0x2a: {  	v8 =	vld [tilespmem:$0x260];
	_ =	sdelay $0x2  }
0x2b: {  	[tilespmem:$0x10440] =	vst v6  }
0x2c: {  	v6 =	vor.u32 $0x3000, v0;
	v7 =	vld.idx.msk [tilespmem:v7+s8+$0x0], $0xffff  }
0x2d: {  	v8 =	vadd.s32 v6, v8  }
0x2e: {  	v9 =	vld [tilespmem:$0x270];
	_ =	sdelay $0x2  }
0x2f: {  	[tilespmem:$0x10450] =	vst v7  }
0x30: {  	v7 =	vor.u32 $0x3800, v0;
	v8 =	vld.idx.msk [tilespmem:v8+s8+$0x0], $0xffff  }
0x31: {  	v9 =	vadd.s32 v7, v9  }
0x32: {  	v10 =	vld [tilespmem:$0x280];
	_ =	sdelay $0x2  }
0x33: {  	[tilespmem:$0x10460] =	vst v8  }
0x34: {  	v8 =	vor.u32 $0x4000, v0;
	v9 =	vld.idx.msk [tilespmem:v9+s8+$0x0], $0xffff  }
0x35: {  	v10 =	vadd.s32 v8, v10  }
0x36: {  	v11 =	vld [tilespmem:$0x290];
	_ =	sdelay $0x2  }
0x37: {  	[tilespmem:$0x10470] =	vst v9  }
0x38: {  	v9 =	vor.u32 $0x4800, v0;
	v10 =	vld.idx.msk [tilespmem:v10+s8+$0x0], $0xffff  }
0x39: {  	v11 =	vadd.s32 v9, v11  }
0x3a: {  	v12 =	vld [tilespmem:$0x2A0];
	_ =	sdelay $0x2  }
0x3b: {  	[tilespmem:$0x10480] =	vst v10  }
0x3c: {  	v10 =	vor.u32 $0x5000, v0;
	v11 =	vld.idx.msk [tilespmem:v11+s8+$0x0], $0xffff  }
0x3d: {  	v12 =	vadd.s32 v10, v12  }
0x3e: {  	v13 =	vld [tilespmem:$0x2B0];
	_ =	sdelay $0x2  }
0x3f: {  	[tilespmem:$0x10490] =	vst v11  }
0x40: {  	v11 =	vor.u32 $0x5800, v0;
	v12 =	vld.idx.msk [tilespmem:v12+s8+$0x0], $0xffff  }
0x41: {  	v13 =	vadd.s32 v11, v13  }
0x42: {  	v14 =	vld [tilespmem:$0x2C0];
	_ =	sdelay $0x2  }
0x43: {  	[tilespmem:$0x104A0] =	vst v12  }
0x44: {  	v12 =	vor.u32 $0x6000, v0;
	v13 =	vld.idx.msk [tilespmem:v13+s8+$0x0], $0xffff  }
0x45: {  	v14 =	vadd.s32 v12, v14  }
0x46: {  	v15 =	vld [tilespmem:$0x2D0];
	_ =	sdelay $0x2  }
0x47: {  	[tilespmem:$0x104B0] =	vst v13  }
0x48: {  	v13 =	vor.u32 $0x6800, v0;
	v14 =	vld.idx.msk [tilespmem:v14+s8+$0x0], $0xffff  }
0x49: {  	v15 =	vadd.s32 v13, v15  }
0x4a: {  	v16 =	vld [tilespmem:$0x2E0];
	_ =	sdelay $0x2  }
0x4b: {  	[tilespmem:$0x104C0] =	vst v14  }
0x4c: {  	v14 =	vor.u32 $0x7000, v0;
	v15 =	vld.idx.msk [tilespmem:v15+s8+$0x0], $0xffff  }
0x4d: {  	v16 =	vadd.s32 v14, v16  }
0x4e: {  	v17 =	vld [tilespmem:$0x2F0];
	_ =	sdelay $0x2  }
0x4f: {  	[tilespmem:$0x104D0] =	vst v15  }
0x50: {  	v15 =	vor.u32 $0x7800, v0;
	v16 =	vld.idx.msk [tilespmem:v16+s8+$0x0], $0xffff  }
0x51: {  	v17 =	vadd.s32 v15, v17  }
0x52: {  	v18 =	vld [tilespmem:$0x300];
	_ =	sdelay $0x2  }
0x53: {  	[tilespmem:$0x104E0] =	vst v16  }
0x54: {  	v16 =	vor.u32 $0x8000, v0;
	v17 =	vld.idx.msk [tilespmem:v17+s8+$0x0], $0xffff  }
0x55: {  	v18 =	vadd.s32 v16, v18  }
0x56: {  	v19 =	vld [tilespmem:$0x310];
	_ =	sdelay $0x2  }
0x57: {  	[tilespmem:$0x104F0] =	vst v17  }
0x58: {  	v17 =	vor.u32 $0x8800, v0;
	v18 =	vld.idx.msk [tilespmem:v18+s8+$0x0], $0xffff  }
0x59: {  	v19 =	vadd.s32 v17, v19  }
0x5a: {  	v20 =	vld [tilespmem:$0x320];
	_ =	sdelay $0x2  }
0x5b: {  	[tilespmem:$0x10500] =	vst v18  }
0x5c: {  	v18 =	vor.u32 $0x9000, v0;
	v19 =	vld.idx.msk [tilespmem:v19+s8+$0x0], $0xffff  }
0x5d: {  	v20 =	vadd.s32 v18, v20  }
0x5e: {  	v21 =	vld [tilespmem:$0x330];
	_ =	sdelay $0x2  }
0x5f: {  	[tilespmem:$0x10510] =	vst v19  }
0x60: {  	v19 =	vor.u32 $0x9800, v0;
	v20 =	vld.idx.msk [tilespmem:v20+s8+$0x0], $0xffff  }
0x61: {  	v21 =	vadd.s32 v19, v21  }
0x62: {  	v22 =	vld [tilespmem:$0x340];
	_ =	sdelay $0x2  }
0x63: {  	[tilespmem:$0x10520] =	vst v20  }
0x64: {  	v20 =	vor.u32 $0xA000, v0;
	v21 =	vld.idx.msk [tilespmem:v21+s8+$0x0], $0xffff  }
0x65: {  	v22 =	vadd.s32 v20, v22  }
0x66: {  	v23 =	vld [tilespmem:$0x350];
	_ =	sdelay $0x2  }
0x67: {  	[tilespmem:$0x10530] =	vst v21  }
0x68: {  	v21 =	vor.u32 $0xA800, v0;
	v22 =	vld.idx.msk [tilespmem:v22+s8+$0x0], $0xffff  }
0x69: {  	v23 =	vadd.s32 v21, v23  }
0x6a: {  	v24 =	vld [tilespmem:$0x360];
	_ =	sdelay $0x2  }
0x6b: {  	[tilespmem:$0x10540] =	vst v22  }
0x6c: {  	v22 =	vor.u32 $0xB000, v0;
	v23 =	vld.idx.msk [tilespmem:v23+s8+$0x0], $0xffff  }
0x6d: {  	v24 =	vadd.s32 v22, v24  }
0x6e: {  	v25 =	vld [tilespmem:$0x370];
	_ =	sdelay $0x2  }
0x6f: {  	[tilespmem:$0x10550] =	vst v23  }
0x70: {  	v23 =	vor.u32 $0xB800, v0;
	v24 =	vld.idx.msk [tilespmem:v24+s8+$0x0], $0xffff  }
0x71: {  	v25 =	vadd.s32 v23, v25  }
0x72: {  	v26 =	vld [tilespmem:$0x380];
	_ =	sdelay $0x2  }
0x73: {  	[tilespmem:$0x10560] =	vst v24  }
0x74: {  	v24 =	vor.u32 $0xC000, v0;
	v25 =	vld.idx.msk [tilespmem:v25+s8+$0x0], $0xffff  }
0x75: {  	v26 =	vadd.s32 v24, v26  }
0x76: {  	v27 =	vld [tilespmem:$0x390];
	_ =	sdelay $0x2  }
0x77: {  	[tilespmem:$0x10570] =	vst v25  }
0x78: {  	v25 =	vor.u32 $0xC800, v0;
	v26 =	vld.idx.msk [tilespmem:v26+s8+$0x0], $0xffff  }
0x79: {  	v27 =	vadd.s32 v25, v27  }
0x7a: {  	v28 =	vld [tilespmem:$0x3A0];
	_ =	sdelay $0x2  }
0x7b: {  	[tilespmem:$0x10580] =	vst v26  }
0x7c: {  	v26 =	vor.u32 $0xD000, v0;
	v27 =	vld.idx.msk [tilespmem:v27+s8+$0x0], $0xffff  }
0x7d: {  	v28 =	vadd.s32 v26, v28  }
0x7e: {  	v29 =	vld [tilespmem:$0x3B0];
	_ =	sdelay $0x2  }
0x7f: {  	[tilespmem:$0x10590] =	vst v27  }
0x80: {  	v27 =	vor.u32 $0xD800, v0;
	v28 =	vld.idx.msk [tilespmem:v28+s8+$0x0], $0xffff  }
0x81: {  	v29 =	vadd.s32 v27, v29  }
0x82: {  	v30 =	vld [tilespmem:$0x3C0];
	_ =	sdelay $0x2  }
0x83: {  	[tilespmem:$0x105A0] =	vst v28  }
0x84: {  	v28 =	vor.u32 $0xE000, v0;
	v29 =	vld.idx.msk [tilespmem:v29+s8+$0x0], $0xffff  }
0x85: {  	v30 =	vadd.s32 v28, v30  }
0x86: {  	v31 =	vld [tilespmem:$0x3D0];
	_ =	sdelay $0x2  }
0x87: {  	[tilespmem:$0x105B0] =	vst v29  }
0x88: {  	v29 =	vor.u32 $0xE800, v0;
	v30 =	vld.idx.msk [tilespmem:v30+s8+$0x0], $0xffff  }
0x89: {  	v31 =	vadd.s32 v29, v31  }
0x8a: {  	v32 =	vld [tilespmem:$0x3E0];
	_ =	sdelay $0x2  }
0x8b: {  	[tilespmem:$0x105C0] =	vst v30  }
0x8c: {  	v30 =	vor.u32 $0xF000, v0;
	v31 =	vld.idx.msk [tilespmem:v31+s8+$0x0], $0xffff  }
0x8d: {  	v32 =	vadd.s32 v30, v32  }
0x8e: {  	v33 =	vld [tilespmem:$0x3F0];
	_ =	sdelay $0x2  }
0x8f: {  	[tilespmem:$0x105D0] =	vst v31  }
0x90: {  	v31 =	vor.u32 $0xF800, v0;
	v32 =	vld.idx.msk [tilespmem:v32+s8+$0x0], $0xffff  }
0x91: {  	v33 =	vadd.s32 v31, v33;
	_ =	sdelay $0x3  }
0x92: {  	s10 =	ssub.s32 $0x2, s10;
	[tilespmem:$0x105E0] =	vst v32  }
0x93: {  	s12 =	sshrl.u32 s10, $0x1;
	v32 =	vld.idx.msk [tilespmem:v33+s8+$0x0], $0xffff  }
0x94: {  	s12 =	ssub.s32 s10, s12  }
0x95: {  	s12 =	smax.u32 s12, $0x1  }
0x96: {  	p0 =	sne.s32 s12, $0x1  }
.Ltmp0:
0x97: {  	_ = 	snop;
	(pc) =	sbr.rel @!p0 .LBB2_2-.Ltmp0, $4  }
0x98: {  	s10 =	sadd.s32 $0x1F5800, s11;
	s11 =	simm.s32 $0x10400;
	[tilespmem:$0x105F0] =	vst v32  }
0x99: {  	[hbm4b:s10+s2] =	stream.linear.scatter [tilespmem:s11], [sflag:$0x2], $0x200, $0x38;
	[tilespmem:$0x10600] =	vst v63  }
0x9a: {  	_ =	swait.ge [sflag:s3], $0x200  }
0x9b: {  	s12 =	sadd.s32 $0xFFFFFFFF, s12;
	[sflag:s3] =	ssyncset.done $0x0  }
.LBB2_1:
0x9c: {  	p0 =	sne.s32 s12, $0x1;
	s12 =	sadd.s32 $0xFFFFFFFF, s12;
	[sflag:s3] =	ssyncadd.s32 $0xFFFFFE00  }
0x9d: {  	[tilespmem:s2], [sflag:$0x2] =	stream.linear.gather [hbm4b:s4+s2], $0x200, $0x38;
	[tilespmem:$0x10600] =	vst v63  }
0x9e: {  	_ =	swait.ge [sflag:s3], $0x200  }
0x9f: {  	[sflag:s3] =	ssyncset.done $0x0  }
0xa0: {  	[sflag:s3] =	ssyncadd.s32 $0xFFFFFE00  }
0xa1: {  	[tilespmem:s6], [sflag:$0x2] =	stream.linear.gather [hbm4b:s5+s2], $0x200, $0x38;
	[tilespmem:$0x10600] =	vst v63  }
0xa2: {  	_ =	swait.ge [sflag:s3], $0x200  }
0xa3: {  	[sflag:s3] =	ssyncset.done $0x0  }
0xa4: {  	[sflag:s3] =	ssyncadd.s32 $0xFFFFFE00  }
0xa5: {  	[tilespmem:s8], [sflag:$0x1] =	stream.indirect.gather [hbm4b:s7+s6], $0x80, s2, s6, $0xb8;
	[tilespmem:$0x10600] =	vst v63  }
0xa6: {  	_ =	swait.ge [sflag:s9], $0x10000  }
0xa7: {  	[sflag:s9] =	ssyncset.done $0x0  }
0xa8: {  	[sflag:s9] =	ssyncadd.s32 $0xFFFF0000  }
0xa9: {  	v32 =	vld [tilespmem:$0x200]  }
0xaa: {  	v33 =	vld [tilespmem:$0x210]  }
0xab: {  	v34 =	vld [tilespmem:$0x220]  }
0xac: {  	v35 =	vld [tilespmem:$0x230]  }
0xad: {  	v51 =	vld [tilespmem:$0x240]  }
0xae: {  	v32 =	vadd.s32 v0, v32;
	v52 =	vld [tilespmem:$0x250]  }
0xaf: {  	v53 =	vld [tilespmem:$0x260]  }
0xb0: {  	v54 =	vld [tilespmem:$0x270]  }
0xb1: {  	v55 =	vld [tilespmem:$0x280]  }
0xb2: {  	v56 =	vld [tilespmem:$0x290]  }
0xb3: {  	v32 =	vld.idx.msk [tilespmem:v32+s8+$0x0], $0xffff  }
0xb4: {  	v57 =	vld [tilespmem:$0x2A0]  }
0xb5: {  	v33 =	vadd.s32 v1, v33;
	v58 =	vld [tilespmem:$0x2B0]  }
0xb6: {  	v59 =	vld [tilespmem:$0x2C0]  }
0xb7: {  	v50 =	vld [tilespmem:$0x2D0]  }
0xb8: {  	v49 =	vld [tilespmem:$0x2E0]  }
0xb9: {  	[tilespmem:$0x10400] =	vst v32;
	v48 =	vld [tilespmem:$0x2F0]  }
0xba: {  	v32 =	vld.idx.msk [tilespmem:v33+s8+$0x0], $0xffff  }
0xbb: {  	v47 =	vld [tilespmem:$0x300]  }
0xbc: {  	v33 =	vadd.s32 v2, v34;
	v46 =	vld [tilespmem:$0x310]  }
0xbd: {  	v45 =	vld [tilespmem:$0x320]  }
0xbe: {  	v44 =	vld [tilespmem:$0x330]  }
0xbf: {  	v43 =	vld [tilespmem:$0x340]  }
0xc0: {  	[tilespmem:$0x10410] =	vst v32;
	v42 =	vld [tilespmem:$0x350]  }
0xc1: {  	v32 =	vld.idx.msk [tilespmem:v33+s8+$0x0], $0xffff  }
0xc2: {  	v41 =	vld [tilespmem:$0x360]  }
0xc3: {  	v33 =	vadd.s32 v3, v35;
	v40 =	vld [tilespmem:$0x370]  }
0xc4: {  	v39 =	vld [tilespmem:$0x380]  }
0xc5: {  	v38 =	vld [tilespmem:$0x390]  }
0xc6: {  	v37 =	vld [tilespmem:$0x3A0]  }
0xc7: {  	[tilespmem:$0x10420] =	vst v32;
	v36 =	vld [tilespmem:$0x3B0]  }
0xc8: {  	v60 =	vld.idx.msk [tilespmem:v33+s8+$0x0], $0xffff  }
0xc9: {  	v35 =	vld [tilespmem:$0x3C0]  }
0xca: {  	v51 =	vadd.s32 v4, v51;
	v34 =	vld [tilespmem:$0x3D0]  }
0xcb: {  	v33 =	vld [tilespmem:$0x3E0]  }
0xcc: {  	v32 =	vld [tilespmem:$0x3F0];
	_ =	sdelay $0x1  }
0xcd: {  	[tilespmem:$0x10430] =	vst v60  }
0xce: {  	v51 =	vld.idx.msk [tilespmem:v51+s8+$0x0], $0xffff;
	_ =	sdelay $0x1  }
0xcf: {  	v52 =	vadd.s32 v5, v52;
	_ =	sdelay $0x3  }
0xd0: {  	[tilespmem:$0x10440] =	vst v51  }
0xd1: {  	v51 =	vld.idx.msk [tilespmem:v52+s8+$0x0], $0xffff;
	_ =	sdelay $0x1  }
0xd2: {  	v52 =	vadd.s32 v6, v53;
	_ =	sdelay $0x3  }
0xd3: {  	[tilespmem:$0x10450] =	vst v51  }
0xd4: {  	v51 =	vld.idx.msk [tilespmem:v52+s8+$0x0], $0xffff;
	_ =	sdelay $0x1  }
0xd5: {  	v52 =	vadd.s32 v7, v54;
	_ =	sdelay $0x3  }
0xd6: {  	[tilespmem:$0x10460] =	vst v51  }
0xd7: {  	v51 =	vld.idx.msk [tilespmem:v52+s8+$0x0], $0xffff;
	_ =	sdelay $0x1  }
0xd8: {  	v52 =	vadd.s32 v8, v55;
	_ =	sdelay $0x3  }
0xd9: {  	[tilespmem:$0x10470] =	vst v51  }
0xda: {  	v51 =	vld.idx.msk [tilespmem:v52+s8+$0x0], $0xffff;
	_ =	sdelay $0x1  }
0xdb: {  	v52 =	vadd.s32 v9, v56;
	_ =	sdelay $0x3  }
0xdc: {  	[tilespmem:$0x10480] =	vst v51  }
0xdd: {  	v51 =	vld.idx.msk [tilespmem:v52+s8+$0x0], $0xffff;
	_ =	sdelay $0x1  }
0xde: {  	v52 =	vadd.s32 v10, v57;
	_ =	sdelay $0x3  }
0xdf: {  	[tilespmem:$0x10490] =	vst v51  }
0xe0: {  	v51 =	vld.idx.msk [tilespmem:v52+s8+$0x0], $0xffff;
	_ =	sdelay $0x1  }
0xe1: {  	v52 =	vadd.s32 v11, v58;
	_ =	sdelay $0x3  }
0xe2: {  	[tilespmem:$0x104A0] =	vst v51  }
0xe3: {  	v51 =	vld.idx.msk [tilespmem:v52+s8+$0x0], $0xffff;
	_ =	sdelay $0x1  }
0xe4: {  	v52 =	vadd.s32 v12, v59;
	_ =	sdelay $0x3  }
0xe5: {  	[tilespmem:$0x104B0] =	vst v51  }
0xe6: {  	v51 =	vld.idx.msk [tilespmem:v52+s8+$0x0], $0xffff;
	_ =	sdelay $0x1  }
0xe7: {  	v50 =	vadd.s32 v13, v50;
	_ =	sdelay $0x3  }
0xe8: {  	[tilespmem:$0x104C0] =	vst v51  }
0xe9: {  	v50 =	vld.idx.msk [tilespmem:v50+s8+$0x0], $0xffff;
	_ =	sdelay $0x1  }
0xea: {  	v49 =	vadd.s32 v14, v49;
	_ =	sdelay $0x3  }
0xeb: {  	[tilespmem:$0x104D0] =	vst v50  }
0xec: {  	v49 =	vld.idx.msk [tilespmem:v49+s8+$0x0], $0xffff;
	_ =	sdelay $0x1  }
0xed: {  	v48 =	vadd.s32 v15, v48;
	_ =	sdelay $0x3  }
0xee: {  	[tilespmem:$0x104E0] =	vst v49  }
0xef: {  	v48 =	vld.idx.msk [tilespmem:v48+s8+$0x0], $0xffff;
	_ =	sdelay $0x1  }
0xf0: {  	v47 =	vadd.s32 v16, v47;
	_ =	sdelay $0x3  }
0xf1: {  	[tilespmem:$0x104F0] =	vst v48  }
0xf2: {  	v47 =	vld.idx.msk [tilespmem:v47+s8+$0x0], $0xffff;
	_ =	sdelay $0x1  }
0xf3: {  	v46 =	vadd.s32 v17, v46;
	_ =	sdelay $0x3  }
0xf4: {  	[tilespmem:$0x10500] =	vst v47  }
0xf5: {  	v46 =	vld.idx.msk [tilespmem:v46+s8+$0x0], $0xffff;
	_ =	sdelay $0x1  }
0xf6: {  	v45 =	vadd.s32 v18, v45;
	_ =	sdelay $0x3  }
0xf7: {  	[tilespmem:$0x10510] =	vst v46  }
0xf8: {  	v45 =	vld.idx.msk [tilespmem:v45+s8+$0x0], $0xffff;
	_ =	sdelay $0x1  }
0xf9: {  	v44 =	vadd.s32 v19, v44;
	_ =	sdelay $0x3  }
0xfa: {  	[tilespmem:$0x10520] =	vst v45  }
0xfb: {  	v44 =	vld.idx.msk [tilespmem:v44+s8+$0x0], $0xffff;
	_ =	sdelay $0x1  }
0xfc: {  	v43 =	vadd.s32 v20, v43;
	_ =	sdelay $0x3  }
0xfd: {  	[tilespmem:$0x10530] =	vst v44  }
0xfe: {  	v43 =	vld.idx.msk [tilespmem:v43+s8+$0x0], $0xffff;
	_ =	sdelay $0x1  }
0xff: {  	v42 =	vadd.s32 v21, v42;
	_ =	sdelay $0x3  }
0x100: {  	[tilespmem:$0x10540] =	vst v43  }
0x101: {  	v42 =	vld.idx.msk [tilespmem:v42+s8+$0x0], $0xffff;
	_ =	sdelay $0x1  }
0x102: {  	v41 =	vadd.s32 v22, v41;
	_ =	sdelay $0x3  }
0x103: {  	[tilespmem:$0x10550] =	vst v42  }
0x104: {  	v41 =	vld.idx.msk [tilespmem:v41+s8+$0x0], $0xffff;
	_ =	sdelay $0x1  }
0x105: {  	v40 =	vadd.s32 v23, v40;
	_ =	sdelay $0x3  }
0x106: {  	[tilespmem:$0x10560] =	vst v41  }
0x107: {  	v40 =	vld.idx.msk [tilespmem:v40+s8+$0x0], $0xffff;
	_ =	sdelay $0x1  }
0x108: {  	v39 =	vadd.s32 v24, v39;
	_ =	sdelay $0x3  }
0x109: {  	[tilespmem:$0x10570] =	vst v40  }
0x10a: {  	v39 =	vld.idx.msk [tilespmem:v39+s8+$0x0], $0xffff;
	_ =	sdelay $0x1  }
0x10b: {  	v38 =	vadd.s32 v25, v38;
	_ =	sdelay $0x3  }
0x10c: {  	[tilespmem:$0x10580] =	vst v39  }
0x10d: {  	v38 =	vld.idx.msk [tilespmem:v38+s8+$0x0], $0xffff;
	_ =	sdelay $0x1  }
0x10e: {  	v37 =	vadd.s32 v26, v37;
	_ =	sdelay $0x3  }
0x10f: {  	[tilespmem:$0x10590] =	vst v38  }
0x110: {  	v37 =	vld.idx.msk [tilespmem:v37+s8+$0x0], $0xffff;
	_ =	sdelay $0x1  }
0x111: {  	v36 =	vadd.s32 v27, v36;
	_ =	sdelay $0x3  }
0x112: {  	[tilespmem:$0x105A0] =	vst v37  }
0x113: {  	v36 =	vld.idx.msk [tilespmem:v36+s8+$0x0], $0xffff;
	_ =	sdelay $0x1  }
0x114: {  	v35 =	vadd.s32 v28, v35;
	_ =	sdelay $0x3  }
0x115: {  	[tilespmem:$0x105B0] =	vst v36  }
0x116: {  	v35 =	vld.idx.msk [tilespmem:v35+s8+$0x0], $0xffff;
	_ =	sdelay $0x1  }
0x117: {  	v34 =	vadd.s32 v29, v34;
	_ =	sdelay $0x3  }
0x118: {  	[tilespmem:$0x105C0] =	vst v35  }
0x119: {  	v34 =	vld.idx.msk [tilespmem:v34+s8+$0x0], $0xffff;
	_ =	sdelay $0x1  }
0x11a: {  	v33 =	vadd.s32 v30, v33;
	_ =	sdelay $0x3  }
0x11b: {  	[tilespmem:$0x105D0] =	vst v34  }
0x11c: {  	v33 =	vld.idx.msk [tilespmem:v33+s8+$0x0], $0xffff;
	_ =	sdelay $0x1  }
0x11d: {  	v32 =	vadd.s32 v31, v32;
	_ =	sdelay $0x3  }
0x11e: {  	[tilespmem:$0x105E0] =	vst v33  }
0x11f: {  	v32 =	vld.idx.msk [tilespmem:v32+s8+$0x0], $0xffff;
	_ =	sdelay $0x4  }
.Ltmp1:
0x120: {  	(pc) =	sbr.rel @p0 .LBB2_1-.Ltmp1, $4  }
0x121: {  	[tilespmem:$0x105F0] =	vst v32  }
0x122: {  	[hbm4b:s10+s2] =	stream.linear.scatter [tilespmem:s11], [sflag:$0x2], $0x200, $0x38;
	[tilespmem:$0x10600] =	vst v63  }
0x123: {  	_ =	swait.ge [sflag:s3], $0x200  }
0x124: {  	[sflag:s3] =	ssyncset.done $0x0  }
.LBB2_2:
0x125: {  	[sflag:s3] =	ssyncadd.s32 $0xFFFFFE00  }
0x126: {  	_ =	sfence.sel $0x180000  }
0x127: {  	[bflag:$0x0] =	sbarrier.arrive $0xFFFF  }
0x128: {  	p0 =	sne.s32 s0, $0x0;
	_ =	strace $0x90000047  }
0x129: {  	s0 =	sadd.s32 @!p0 $0x100000, s1;
	[bflag:$0x2] =	sbarrier.arrive $0xFFFF  }
0x12a: {  	[sflag:s0] =	ssyncadd.tile.s32 @!p0 $0x1;
	_ =	shalt  }
.Lfunc_end2:
_tile_overlayer_lowered:
.L_overlay_start_2:
0x12b: {  	(tag) =	ssettag $0x2  }
0x12c: {  	s0 =	rddreg [dreg:$0x0];
	s2 =	stileid.u32  }
0x12d: {  	s1 =	rddreg [dreg:$0x1];
	p0 =	sne.s32 s2, $0x0  }
0x12e: {  	s3 =	rddreg [dreg:$0x2];
	[bflag:$0x3] =	sbarrier.arrive $0xFFFF;
	s2 =	simm.s32 @!p0 $0x1C02  }
0x12f: {  	[timem:s3], [sflag:s2] =	dma.local @!p0 [hbm:s0], s1  }
0x130: {  	s0 =	simm.s32 @!p0 $0x2  }
0x131: {  	_ =	swait.ge @!p0 [sflag:s0], s1  }
0x132: {  	s1 =	ssub.s32 @!p0 $0x0, s1;
	[sflag:s0] =	ssyncset.done @!p0 $0x0  }
0x133: {  	[sflag:s0] =	ssyncadd.s32 @!p0 s1  }
0x134: {  	[bflag:$0x3] =	sbarrier.arrive $0xFFFF  }
0x135: {  	_ =	shalt  }

</sc_bundles>
